<compile_context>
chip_gen: v7x
topology: tpu7x:2x2x1
jax: 0.10.2.dev20260603
libtpu: 0.0.44.dev20260713+nightly
codegen_flags: <defaults>
</compile_context>

<pallas_src>
import functools

import jax
import jax.numpy as jnp
import numpy as np
from jax import lax
from jax.experimental import pallas as pl
from jax.experimental.pallas import tpu as pltpu
from jax.experimental.pallas import tpu_sc as plsc

N_COARSE = 4096
N_FINE = 16384
D_IN = 256
D_SKIP = 128
D_HID = 256
D_OUT = 256
K = 3

BM = 1024
BMC = 1024


def _topk_body(a_ref, b_ref, ysq_ref, i_ref, w_ref):
    d = jnp.dot(a_ref[...], b_ref[...], preferred_element_type=jnp.float32)
    n = d.shape[1]
    idxrow = lax.broadcasted_iota(jnp.int32, d.shape, 1).astype(jnp.float32)
    big_f = jnp.float32(n)
    inf = jnp.float32(np.inf)

    mins, idxs = [], []
    for _ in range(K):
        mk = jnp.min(d, axis=1, keepdims=True)
        cand = jnp.where(d == mk, idxrow, big_f)
        ik = jnp.min(cand, axis=1, keepdims=True)
        d = jnp.where(cand == ik, inf, d)
        mins.append(mk)
        idxs.append(ik)

    ysq = ysq_ref[...]
    ws = [1.0 / jnp.maximum(mk + ysq, 1e-16) for mk in mins]
    den = ws[0] + ws[1] + ws[2]
    i_ref[...] = jnp.concatenate(
        [ik.astype(jnp.int32) for ik in idxs], axis=1)
    w_ref[...] = jnp.concatenate([wk / den for wk in ws], axis=1)


_KSPLIT = 21


def _hi16(v):
    return lax.bitcast_convert_type(
        lax.bitcast_convert_type(v, jnp.int32) & jnp.int32(-65536),
        jnp.float32)


def _split3(v):
    p1 = _hi16(v)
    r = v - p1
    p2 = _hi16(r)
    p3 = r - p2
    return (p1.astype(jnp.bfloat16), p2.astype(jnp.bfloat16),
            p3.astype(jnp.bfloat16))


def _topk_operands(pos_skip, pos):
    u1, u2, u3 = _split3(pos_skip)
    v1, v2, v3 = _split3(-2.0 * pos.T)
    s1, s2, s3 = _split3(jnp.sum(pos * pos, axis=1)[None, :])
    one = jnp.ones(pos_skip.shape, jnp.bfloat16)
    a = jnp.concatenate([u1, u1, u2, u2, u1, u3, one], axis=1)
    b = jnp.concatenate(
        [v1, v2, v1, v2, v3, v1,
         jnp.concatenate([s1, s2, s3], axis=0)], axis=0)
    ysq = jnp.sum(pos_skip * pos_skip, axis=1, keepdims=True)
    return a, b, ysq


def _topk_call(a, b, ysq):
    m = a.shape[0]
    grid = (m // BM,)
    tri = pl.BlockSpec((BM, 3), lambda i: (i, 0))
    return pl.pallas_call(
        _topk_body,
        grid=grid,
        in_specs=[
            pl.BlockSpec((BM, _KSPLIT), lambda i: (i, 0)),
            pl.BlockSpec((_KSPLIT, N_COARSE), lambda i: (0, 0)),
            pl.BlockSpec((BM, 1), lambda i: (i, 0)),
        ],
        out_specs=[tri, tri],
        out_shape=[jax.ShapeDtypeStruct((m, 3), jnp.int32),
                   jax.ShapeDtypeStruct((m, 3), jnp.float32)],
    )(a, b, ysq)


_NC = 2
_NS = 16
_NW = _NC * _NS
_GATHER_B = K * N_FINE
_B_PER_W = _GATHER_B // _NW
_CHUNK = 192
_N_CHUNKS = _B_PER_W // _CHUNK


def _sc_gather_body(table_hbm, idx_hbm, out_hbm,
                    idx0, idx1, rows0, rows1, sem0, sem1):
    wid = lax.axis_index("s") * _NC + lax.axis_index("c")
    base = wid * _B_PER_W
    idx_v = (idx0, idx1)
    rows_v = (rows0, rows1)
    sems = (sem0, sem1)
    pltpu.sync_copy(idx_hbm.at[pl.ds(base, _CHUNK)], idx0)
    cps = {0: pltpu.async_copy(table_hbm.at[idx0], rows0, sem0)}
    for ci in range(_N_CHUNKS):
        cur, nxt = ci % 2, (ci + 1) % 2
        if ci + 1 < _N_CHUNKS:
            off = base + (ci + 1) * _CHUNK
            pltpu.sync_copy(idx_hbm.at[pl.ds(off, _CHUNK)], idx_v[nxt])
            cps[nxt] = pltpu.async_copy(
                table_hbm.at[idx_v[nxt]], rows_v[nxt], sems[nxt])
        cps[cur].wait()
        pltpu.sync_copy(rows_v[cur], out_hbm.at[pl.ds(base + ci * _CHUNK, _CHUNK)])


@functools.cache
def _sc_gather():
    return functools.partial(
        pl.kernel,
        mesh=plsc.VectorSubcoreMesh(core_axis_name="c", subcore_axis_name="s"),
        out_type=jax.ShapeDtypeStruct((_GATHER_B, D_IN), jnp.float32),
        scratch_types=[
            pltpu.VMEM((_CHUNK,), jnp.int32),
            pltpu.VMEM((_CHUNK,), jnp.int32),
            pltpu.VMEM((_CHUNK, D_IN), jnp.float32),
            pltpu.VMEM((_CHUNK, D_IN), jnp.float32),
            pltpu.SemaphoreType.DMA,
            pltpu.SemaphoreType.DMA,
        ],
    )(_sc_gather_body)


def _mlp_body(g0_ref, g1_ref, g2_ref, w_ref, xs_ref,
              w1a_ref, w1b_ref, b1_ref, w2m_ref, b2_ref, o_ref):
    w = w_ref[...]
    xi = (w[:, 0:1] * g0_ref[...]
          + w[:, 1:2] * g1_ref[...]
          + w[:, 2:3] * g2_ref[...])
    h = jnp.dot(xi, w1a_ref[...], preferred_element_type=jnp.float32)
    h = h + jnp.dot(xs_ref[...], w1b_ref[...],
                    preferred_element_type=jnp.float32)
    h = jnp.maximum(h + b1_ref[...][None, :], 0.0)
    o = jnp.dot(h, w2m_ref[...], preferred_element_type=jnp.float32)
    o_ref[...] = jnp.maximum(o + b2_ref[...][None, :], 0.0)


def _mlp_call(gathered, w_all, x_skip, W1, b1, W2, b2):
    m = x_skip.shape[0]
    grid = (m // BMC,)
    nb = m // BMC
    return pl.pallas_call(
        _mlp_body,
        grid=grid,
        in_specs=[
            pl.BlockSpec((BMC, D_IN), lambda i: (i, 0)),
            pl.BlockSpec((BMC, D_IN), lambda i: (i + nb, 0)),
            pl.BlockSpec((BMC, D_IN), lambda i: (i + 2 * nb, 0)),
            pl.BlockSpec((BMC, 3), lambda i: (i, 0)),
            pl.BlockSpec((BMC, D_SKIP), lambda i: (i, 0)),
            pl.BlockSpec((D_IN, D_HID), lambda i: (0, 0)),
            pl.BlockSpec((D_SKIP, D_HID), lambda i: (2, 0)),
            pl.BlockSpec((D_HID,), lambda i: (0,)),
            pl.BlockSpec((D_HID, D_OUT), lambda i: (0, 0)),
            pl.BlockSpec((D_OUT,), lambda i: (0,)),
        ],
        out_specs=pl.BlockSpec((BMC, D_OUT), lambda i: (i, 0)),
        out_shape=jax.ShapeDtypeStruct((m, D_OUT), jnp.float32),
    )(gathered, gathered, gathered, w_all, x_skip, W1, W1, b1, W2, b2)


def kernel(x, pos, batch, x_skip, pos_skip, batch_skip, W1, b1, W2, b2):
    m = pos_skip.shape[0]
    idx_all, w_all = _topk_call(*_topk_operands(pos_skip, pos))

    gathered = _sc_gather()(x, idx_all.T.reshape(-1))
    h = _mlp_call(gathered, w_all, x_skip, W1, b1, W2, b2)
    return (h, pos_skip, batch_skip)

# --- scband reference (transcript-rebuilt; emitter-appended) ---
"""Pipeline reference for scband-fpmodule-24120536334939 (READ-ONLY COPY).

The authoritative reference and input builder live on the scoring server;
editing this copy changes nothing except your own understanding.
"""

import jax, jax.numpy as jnp
import numpy as np

N_COARSE = 4096
N_FINE = 16384
D_IN = 256
D_SKIP = 128
D_HID = 256
D_OUT = 256
K = 3


def setup_inputs(seed: int = 0):
    key = jax.random.key(seed)
    ks = jax.random.split(key, 8)
    x = jax.random.normal(ks[0], (N_COARSE, D_IN), dtype=jnp.float32)
    pos = jax.random.uniform(ks[1], (N_COARSE, 3), dtype=jnp.float32)
    batch = jnp.zeros((N_COARSE,), dtype=jnp.int32)
    x_skip = jax.random.normal(ks[2], (N_FINE, D_SKIP), dtype=jnp.float32)
    pos_skip = jax.random.uniform(ks[3], (N_FINE, 3), dtype=jnp.float32)
    batch_skip = jnp.zeros((N_FINE,), dtype=jnp.int32)
    W1 = jax.random.normal(ks[4], (D_IN + D_SKIP, D_HID), dtype=jnp.float32) / np.sqrt(D_IN + D_SKIP)
    b1 = jnp.zeros((D_HID,), dtype=jnp.float32)
    W2 = jax.random.normal(ks[5], (D_HID, D_OUT), dtype=jnp.float32) / np.sqrt(D_HID)
    b2 = jnp.zeros((D_OUT,), dtype=jnp.float32)
    return {"x": x, "pos": pos, "batch": batch, "x_skip": x_skip,
            "pos_skip": pos_skip, "batch_skip": batch_skip,
            "W1": W1, "b1": b1, "W2": W2, "b2": b2}


def knn_interpolate(x, pos_x, pos_y, k):
    # squared distances from every fine point (y) to every coarse point (x)
    d2 = jnp.sum((pos_y[:, None, :] - pos_x[None, :, :]) ** 2, axis=-1)  # [M, N]
    neg_topv, topi = jax.lax.top_k(-d2, k)  # k nearest -> smallest d2
    squared_distance = -neg_topv  # [M, k]
    weights = 1.0 / jnp.maximum(squared_distance, 1e-16)
    feats = jnp.take(x, topi, axis=0)  # [M, k, C] gather
    num = jnp.sum(feats * weights[..., None], axis=1)
    den = jnp.sum(weights, axis=1, keepdims=True)
    return num / den


def reference(x, pos, batch, x_skip, pos_skip, batch_skip, W1, b1, W2, b2):
    xi = knn_interpolate(x, pos, pos_skip, K)  # [M, D_IN]
    h = jnp.concatenate([xi, x_skip], axis=1)  # [M, D_IN + D_SKIP]
    h = jax.nn.relu(h @ W1 + b1)
    h = jax.nn.relu(h @ W2 + b2)
    return (h, pos_skip, batch_skip)

if __name__ == "__main__":
    import jax
    _d = setup_inputs()
    print(jax.jit(kernel)(*tuple(_d.values())))

</pallas_src>

<mosaic_0001>
#map = affine_map<(d0, d1) -> (0, 0)>
#map1 = affine_map<(d0, d1) -> (0)>
module attributes {stable_mosaic.version = 14 : i64} {
  func.func @_sc_gather_body(%arg0: i32, %arg1: i32, %arg2: memref<4096x256xf32, #tpu.memory_space<hbm>>, %arg3: memref<49152xi32, #tpu.memory_space<hbm>>, %arg4: memref<49152x256xf32, #tpu.memory_space<hbm>>, %arg5: memref<192xi32, #tpu.memory_space<vmem>>, %arg6: memref<192xi32, #tpu.memory_space<vmem>>, %arg7: memref<192x256xf32, #tpu.memory_space<vmem>>, %arg8: memref<192x256xf32, #tpu.memory_space<vmem>>, %arg9: memref<!tpu.dma_semaphore, #tpu.memory_space<semaphore_mem>>, %arg10: memref<!tpu.dma_semaphore, #tpu.memory_space<semaphore_mem>>) attributes {dimension_semantics = [#tpu.dimension_semantics<core_parallel>, #tpu.dimension_semantics<subcore_parallel>], iteration_bounds = array<i64: 2, 16>, scalar_prefetch = 0 : i64, scratch_operands = 6 : i64, tpu.core_type = #tpu.core_type<sc_vector_subcore>, window_params = [{transform_indices = #map}, {transform_indices = #map1}, {transform_indices = #map}]} {
    %mul3A = arith.constant 2 : i32
    %mul3A_0 = arith.muli %arg1, %mul3A : i32
    %add3A = arith.addi %mul3A_0, %arg0 : i32
    %mul3A_1 = arith.constant 1536 : i32
    %mul3A_2 = arith.muli %add3A, %mul3A_1 : i32
    "tpu.region"() ({
      %run_scoped3A = tpu.sem_alloc : memref<!tpu.dma_semaphore, #tpu.memory_space<semaphore_mem>>
      %dma_start3A_79 = tpu.memref_slice %arg3[%mul3A_2] : memref<49152xi32, #tpu.memory_space<hbm>> -> memref<192xi32, #tpu.memory_space<hbm>>
      %dma_start3A_80 = tpu.memref_slice %arg3[%mul3A_2] : memref<49152xi32, #tpu.memory_space<hbm>> -> memref<192xi32, #tpu.memory_space<hbm>>
      tpu.enqueue_dma source(%dma_start3A_80 : memref<192xi32, #tpu.memory_space<hbm>>) target(%arg5 : memref<192xi32, #tpu.memory_space<vmem>>) target_semaphore(%run_scoped3A : memref<!tpu.dma_semaphore, #tpu.memory_space<semaphore_mem>>)
      %dma_wait3A_81 = tpu.memref_slice %arg3[%mul3A_2] : memref<49152xi32, #tpu.memory_space<hbm>> -> memref<192xi32, #tpu.memory_space<hbm>>
      %dma_wait3A_82 = tpu.memref_slice %arg3[%mul3A_2] : memref<49152xi32, #tpu.memory_space<hbm>> -> memref<192xi32, #tpu.memory_space<hbm>>
      tpu.wait_dma2 semaphore(%run_scoped3A : memref<!tpu.dma_semaphore, #tpu.memory_space<semaphore_mem>>) src(%dma_wait3A_82 : memref<192xi32, #tpu.memory_space<hbm>>) dst(%arg5 : memref<192xi32, #tpu.memory_space<vmem>>)
      tpu.yield
    }) : () -> ()
    %dma_start3A = arith.constant 0 : i32
    %dma_start3A_3 = arith.constant 0 : i32
    %dma_start3A_4 = tpu.memref_slice %arg2[%dma_start3A, %dma_start3A_3] : memref<4096x256xf32, #tpu.memory_space<hbm>> -> memref<4096x256xf32, #tpu.memory_space<hbm>>
    tpu.enqueue_indirect_dma source(%dma_start3A_4 : memref<4096x256xf32, #tpu.memory_space<hbm>>) target(%arg7 : memref<192x256xf32, #tpu.memory_space<vmem>>) offsets(%arg5 : memref<192xi32, #tpu.memory_space<vmem>>) semaphore(%arg9 : memref<!tpu.dma_semaphore, #tpu.memory_space<semaphore_mem>>)
    %add3A_5 = arith.constant 192 : i32
    %add3A_6 = arith.addi %mul3A_2, %add3A_5 : i32
    "tpu.region"() ({
      %run_scoped3A = tpu.sem_alloc : memref<!tpu.dma_semaphore, #tpu.memory_space<semaphore_mem>>
      %dma_start3A_79 = tpu.memref_slice %arg3[%add3A_6] : memref<49152xi32, #tpu.memory_space<hbm>> -> memref<192xi32, #tpu.memory_space<hbm>>
      %dma_start3A_80 = tpu.memref_slice %arg3[%add3A_6] : memref<49152xi32, #tpu.memory_space<hbm>> -> memref<192xi32, #tpu.memory_space<hbm>>
      tpu.enqueue_dma source(%dma_start3A_80 : memref<192xi32, #tpu.memory_space<hbm>>) target(%arg6 : memref<192xi32, #tpu.memory_space<vmem>>) target_semaphore(%run_scoped3A : memref<!tpu.dma_semaphore, #tpu.memory_space<semaphore_mem>>)
      %dma_wait3A_81 = tpu.memref_slice %arg3[%add3A_6] : memref<49152xi32, #tpu.memory_space<hbm>> -> memref<192xi32, #tpu.memory_space<hbm>>
      %dma_wait3A_82 = tpu.memref_slice %arg3[%add3A_6] : memref<49152xi32, #tpu.memory_space<hbm>> -> memref<192xi32, #tpu.memory_space<hbm>>
      tpu.wait_dma2 semaphore(%run_scoped3A : memref<!tpu.dma_semaphore, #tpu.memory_space<semaphore_mem>>) src(%dma_wait3A_82 : memref<192xi32, #tpu.memory_space<hbm>>) dst(%arg6 : memref<192xi32, #tpu.memory_space<vmem>>)
      tpu.yield
    }) : () -> ()
    %dma_start3A_7 = arith.constant 0 : i32
    %dma_start3A_8 = arith.constant 0 : i32
    %dma_start3A_9 = tpu.memref_slice %arg2[%dma_start3A_7, %dma_start3A_8] : memref<4096x256xf32, #tpu.memory_space<hbm>> -> memref<4096x256xf32, #tpu.memory_space<hbm>>
    tpu.enqueue_indirect_dma source(%dma_start3A_9 : memref<4096x256xf32, #tpu.memory_space<hbm>>) target(%arg8 : memref<192x256xf32, #tpu.memory_space<vmem>>) offsets(%arg6 : memref<192xi32, #tpu.memory_space<vmem>>) semaphore(%arg10 : memref<!tpu.dma_semaphore, #tpu.memory_space<semaphore_mem>>)
    %dma_wait3A = arith.constant 0 : i32
    %dma_wait3A_10 = arith.constant 0 : i32
    %dma_wait3A_11 = tpu.memref_slice %arg2[%dma_wait3A, %dma_wait3A_10] : memref<4096x256xf32, #tpu.memory_space<hbm>> -> memref<4096x256xf32, #tpu.memory_space<hbm>>
    tpu.wait_indirect_dma semaphore(%arg9 : memref<!tpu.dma_semaphore, #tpu.memory_space<semaphore_mem>>) src(%dma_wait3A_11 : memref<4096x256xf32, #tpu.memory_space<hbm>>) dst(%arg7 : memref<192x256xf32, #tpu.memory_space<vmem>>)
    %add3A_12 = arith.constant 0 : i32
    %add3A_13 = arith.addi %mul3A_2, %add3A_12 : i32
    "tpu.region"() ({
      %run_scoped3A = tpu.sem_alloc : memref<!tpu.dma_semaphore, #tpu.memory_space<semaphore_mem>>
      %dma_start3A_79 = arith.constant 0 : i32
      %dma_start3A_80 = tpu.memref_slice %arg4[%add3A_13, %dma_start3A_79] : memref<49152x256xf32, #tpu.memory_space<hbm>> -> memref<192x256xf32, #tpu.memory_space<hbm>>
      %dma_start3A_81 = arith.constant 0 : i32
      %dma_start3A_82 = tpu.memref_slice %arg4[%add3A_13, %dma_start3A_81] : memref<49152x256xf32, #tpu.memory_space<hbm>> -> memref<192x256xf32, #tpu.memory_space<hbm>>
      tpu.enqueue_dma source(%arg7 : memref<192x256xf32, #tpu.memory_space<vmem>>) target(%dma_start3A_82 : memref<192x256xf32, #tpu.memory_space<hbm>>) target_semaphore(%run_scoped3A : memref<!tpu.dma_semaphore, #tpu.memory_space<semaphore_mem>>)
      %dma_wait3A_83 = arith.constant 0 : i32
      %dma_wait3A_84 = tpu.memref_slice %arg4[%add3A_13, %dma_wait3A_83] : memref<49152x256xf32, #tpu.memory_space<hbm>> -> memref<192x256xf32, #tpu.memory_space<hbm>>
      %dma_wait3A_85 = arith.constant 0 : i32
      %dma_wait3A_86 = tpu.memref_slice %arg4[%add3A_13, %dma_wait3A_85] : memref<49152x256xf32, #tpu.memory_space<hbm>> -> memref<192x256xf32, #tpu.memory_space<hbm>>
      tpu.wait_dma2 semaphore(%run_scoped3A : memref<!tpu.dma_semaphore, #tpu.memory_space<semaphore_mem>>) src(%arg7 : memref<192x256xf32, #tpu.memory_space<vmem>>) dst(%dma_wait3A_86 : memref<192x256xf32, #tpu.memory_space<hbm>>)
      tpu.yield
    }) : () -> ()
    %add3A_14 = arith.constant 384 : i32
    %add3A_15 = arith.addi %mul3A_2, %add3A_14 : i32
    "tpu.region"() ({
      %run_scoped3A = tpu.sem_alloc : memref<!tpu.dma_semaphore, #tpu.memory_space<semaphore_mem>>
      %dma_start3A_79 = tpu.memref_slice %arg3[%add3A_15] : memref<49152xi32, #tpu.memory_space<hbm>> -> memref<192xi32, #tpu.memory_space<hbm>>
      %dma_start3A_80 = tpu.memref_slice %arg3[%add3A_15] : memref<49152xi32, #tpu.memory_space<hbm>> -> memref<192xi32, #tpu.memory_space<hbm>>
      tpu.enqueue_dma source(%dma_start3A_80 : memref<192xi32, #tpu.memory_space<hbm>>) target(%arg5 : memref<192xi32, #tpu.memory_space<vmem>>) target_semaphore(%run_scoped3A : memref<!tpu.dma_semaphore, #tpu.memory_space<semaphore_mem>>)
      %dma_wait3A_81 = tpu.memref_slice %arg3[%add3A_15] : memref<49152xi32, #tpu.memory_space<hbm>> -> memref<192xi32, #tpu.memory_space<hbm>>
      %dma_wait3A_82 = tpu.memref_slice %arg3[%add3A_15] : memref<49152xi32, #tpu.memory_space<hbm>> -> memref<192xi32, #tpu.memory_space<hbm>>
      tpu.wait_dma2 semaphore(%run_scoped3A : memref<!tpu.dma_semaphore, #tpu.memory_space<semaphore_mem>>) src(%dma_wait3A_82 : memref<192xi32, #tpu.memory_space<hbm>>) dst(%arg5 : memref<192xi32, #tpu.memory_space<vmem>>)
      tpu.yield
    }) : () -> ()
    %dma_start3A_16 = arith.constant 0 : i32
    %dma_start3A_17 = arith.constant 0 : i32
    %dma_start3A_18 = tpu.memref_slice %arg2[%dma_start3A_16, %dma_start3A_17] : memref<4096x256xf32, #tpu.memory_space<hbm>> -> memref<4096x256xf32, #tpu.memory_space<hbm>>
    tpu.enqueue_indirect_dma source(%dma_start3A_18 : memref<4096x256xf32, #tpu.memory_space<hbm>>) target(%arg7 : memref<192x256xf32, #tpu.memory_space<vmem>>) offsets(%arg5 : memref<192xi32, #tpu.memory_space<vmem>>) semaphore(%arg9 : memref<!tpu.dma_semaphore, #tpu.memory_space<semaphore_mem>>)
    %dma_wait3A_19 = arith.constant 0 : i32
    %dma_wait3A_20 = arith.constant 0 : i32
    %dma_wait3A_21 = tpu.memref_slice %arg2[%dma_wait3A_19, %dma_wait3A_20] : memref<4096x256xf32, #tpu.memory_space<hbm>> -> memref<4096x256xf32, #tpu.memory_space<hbm>>
    tpu.wait_indirect_dma semaphore(%arg10 : memref<!tpu.dma_semaphore, #tpu.memory_space<semaphore_mem>>) src(%dma_wait3A_21 : memref<4096x256xf32, #tpu.memory_space<hbm>>) dst(%arg8 : memref<192x256xf32, #tpu.memory_space<vmem>>)
    %add3A_22 = arith.constant 192 : i32
    %add3A_23 = arith.addi %mul3A_2, %add3A_22 : i32
    "tpu.region"() ({
      %run_scoped3A = tpu.sem_alloc : memref<!tpu.dma_semaphore, #tpu.memory_space<semaphore_mem>>
      %dma_start3A_79 = arith.constant 0 : i32
      %dma_start3A_80 = tpu.memref_slice %arg4[%add3A_23, %dma_start3A_79] : memref<49152x256xf32, #tpu.memory_space<hbm>> -> memref<192x256xf32, #tpu.memory_space<hbm>>
      %dma_start3A_81 = arith.constant 0 : i32
      %dma_start3A_82 = tpu.memref_slice %arg4[%add3A_23, %dma_start3A_81] : memref<49152x256xf32, #tpu.memory_space<hbm>> -> memref<192x256xf32, #tpu.memory_space<hbm>>
      tpu.enqueue_dma source(%arg8 : memref<192x256xf32, #tpu.memory_space<vmem>>) target(%dma_start3A_82 : memref<192x256xf32, #tpu.memory_space<hbm>>) target_semaphore(%run_scoped3A : memref<!tpu.dma_semaphore, #tpu.memory_space<semaphore_mem>>)
      %dma_wait3A_83 = arith.constant 0 : i32
      %dma_wait3A_84 = tpu.memref_slice %arg4[%add3A_23, %dma_wait3A_83] : memref<49152x256xf32, #tpu.memory_space<hbm>> -> memref<192x256xf32, #tpu.memory_space<hbm>>
      %dma_wait3A_85 = arith.constant 0 : i32
      %dma_wait3A_86 = tpu.memref_slice %arg4[%add3A_23, %dma_wait3A_85] : memref<49152x256xf32, #tpu.memory_space<hbm>> -> memref<192x256xf32, #tpu.memory_space<hbm>>
      tpu.wait_dma2 semaphore(%run_scoped3A : memref<!tpu.dma_semaphore, #tpu.memory_space<semaphore_mem>>) src(%arg8 : memref<192x256xf32, #tpu.memory_space<vmem>>) dst(%dma_wait3A_86 : memref<192x256xf32, #tpu.memory_space<hbm>>)
      tpu.yield
    }) : () -> ()
    %add3A_24 = arith.constant 576 : i32
    %add3A_25 = arith.addi %mul3A_2, %add3A_24 : i32
    "tpu.region"() ({
      %run_scoped3A = tpu.sem_alloc : memref<!tpu.dma_semaphore, #tpu.memory_space<semaphore_mem>>
      %dma_start3A_79 = tpu.memref_slice %arg3[%add3A_25] : memref<49152xi32, #tpu.memory_space<hbm>> -> memref<192xi32, #tpu.memory_space<hbm>>
      %dma_start3A_80 = tpu.memref_slice %arg3[%add3A_25] : memref<49152xi32, #tpu.memory_space<hbm>> -> memref<192xi32, #tpu.memory_space<hbm>>
      tpu.enqueue_dma source(%dma_start3A_80 : memref<192xi32, #tpu.memory_space<hbm>>) target(%arg6 : memref<192xi32, #tpu.memory_space<vmem>>) target_semaphore(%run_scoped3A : memref<!tpu.dma_semaphore, #tpu.memory_space<semaphore_mem>>)
      %dma_wait3A_81 = tpu.memref_slice %arg3[%add3A_25] : memref<49152xi32, #tpu.memory_space<hbm>> -> memref<192xi32, #tpu.memory_space<hbm>>
      %dma_wait3A_82 = tpu.memref_slice %arg3[%add3A_25] : memref<49152xi32, #tpu.memory_space<hbm>> -> memref<192xi32, #tpu.memory_space<hbm>>
      tpu.wait_dma2 semaphore(%run_scoped3A : memref<!tpu.dma_semaphore, #tpu.memory_space<semaphore_mem>>) src(%dma_wait3A_82 : memref<192xi32, #tpu.memory_space<hbm>>) dst(%arg6 : memref<192xi32, #tpu.memory_space<vmem>>)
      tpu.yield
    }) : () -> ()
    %dma_start3A_26 = arith.constant 0 : i32
    %dma_start3A_27 = arith.constant 0 : i32
    %dma_start3A_28 = tpu.memref_slice %arg2[%dma_start3A_26, %dma_start3A_27] : memref<4096x256xf32, #tpu.memory_space<hbm>> -> memref<4096x256xf32, #tpu.memory_space<hbm>>
    tpu.enqueue_indirect_dma source(%dma_start3A_28 : memref<4096x256xf32, #tpu.memory_space<hbm>>) target(%arg8 : memref<192x256xf32, #tpu.memory_space<vmem>>) offsets(%arg6 : memref<192xi32, #tpu.memory_space<vmem>>) semaphore(%arg10 : memref<!tpu.dma_semaphore, #tpu.memory_space<semaphore_mem>>)
    %dma_wait3A_29 = arith.constant 0 : i32
    %dma_wait3A_30 = arith.constant 0 : i32
    %dma_wait3A_31 = tpu.memref_slice %arg2[%dma_wait3A_29, %dma_wait3A_30] : memref<4096x256xf32, #tpu.memory_space<hbm>> -> memref<4096x256xf32, #tpu.memory_space<hbm>>
    tpu.wait_indirect_dma semaphore(%arg9 : memref<!tpu.dma_semaphore, #tpu.memory_space<semaphore_mem>>) src(%dma_wait3A_31 : memref<4096x256xf32, #tpu.memory_space<hbm>>) dst(%arg7 : memref<192x256xf32, #tpu.memory_space<vmem>>)
    %add3A_32 = arith.constant 384 : i32
    %add3A_33 = arith.addi %mul3A_2, %add3A_32 : i32
    "tpu.region"() ({
      %run_scoped3A = tpu.sem_alloc : memref<!tpu.dma_semaphore, #tpu.memory_space<semaphore_mem>>
      %dma_start3A_79 = arith.constant 0 : i32
      %dma_start3A_80 = tpu.memref_slice %arg4[%add3A_33, %dma_start3A_79] : memref<49152x256xf32, #tpu.memory_space<hbm>> -> memref<192x256xf32, #tpu.memory_space<hbm>>
      %dma_start3A_81 = arith.constant 0 : i32
      %dma_start3A_82 = tpu.memref_slice %arg4[%add3A_33, %dma_start3A_81] : memref<49152x256xf32, #tpu.memory_space<hbm>> -> memref<192x256xf32, #tpu.memory_space<hbm>>
      tpu.enqueue_dma source(%arg7 : memref<192x256xf32, #tpu.memory_space<vmem>>) target(%dma_start3A_82 : memref<192x256xf32, #tpu.memory_space<hbm>>) target_semaphore(%run_scoped3A : memref<!tpu.dma_semaphore, #tpu.memory_space<semaphore_mem>>)
      %dma_wait3A_83 = arith.constant 0 : i32
      %dma_wait3A_84 = tpu.memref_slice %arg4[%add3A_33, %dma_wait3A_83] : memref<49152x256xf32, #tpu.memory_space<hbm>> -> memref<192x256xf32, #tpu.memory_space<hbm>>
      %dma_wait3A_85 = arith.constant 0 : i32
      %dma_wait3A_86 = tpu.memref_slice %arg4[%add3A_33, %dma_wait3A_85] : memref<49152x256xf32, #tpu.memory_space<hbm>> -> memref<192x256xf32, #tpu.memory_space<hbm>>
      tpu.wait_dma2 semaphore(%run_scoped3A : memref<!tpu.dma_semaphore, #tpu.memory_space<semaphore_mem>>) src(%arg7 : memref<192x256xf32, #tpu.memory_space<vmem>>) dst(%dma_wait3A_86 : memref<192x256xf32, #tpu.memory_space<hbm>>)
      tpu.yield
    }) : () -> ()
    %add3A_34 = arith.constant 768 : i32
    %add3A_35 = arith.addi %mul3A_2, %add3A_34 : i32
    "tpu.region"() ({
      %run_scoped3A = tpu.sem_alloc : memref<!tpu.dma_semaphore, #tpu.memory_space<semaphore_mem>>
      %dma_start3A_79 = tpu.memref_slice %arg3[%add3A_35] : memref<49152xi32, #tpu.memory_space<hbm>> -> memref<192xi32, #tpu.memory_space<hbm>>
      %dma_start3A_80 = tpu.memref_slice %arg3[%add3A_35] : memref<49152xi32, #tpu.memory_space<hbm>> -> memref<192xi32, #tpu.memory_space<hbm>>
      tpu.enqueue_dma source(%dma_start3A_80 : memref<192xi32, #tpu.memory_space<hbm>>) target(%arg5 : memref<192xi32, #tpu.memory_space<vmem>>) target_semaphore(%run_scoped3A : memref<!tpu.dma_semaphore, #tpu.memory_space<semaphore_mem>>)
      %dma_wait3A_81 = tpu.memref_slice %arg3[%add3A_35] : memref<49152xi32, #tpu.memory_space<hbm>> -> memref<192xi32, #tpu.memory_space<hbm>>
      %dma_wait3A_82 = tpu.memref_slice %arg3[%add3A_35] : memref<49152xi32, #tpu.memory_space<hbm>> -> memref<192xi32, #tpu.memory_space<hbm>>
      tpu.wait_dma2 semaphore(%run_scoped3A : memref<!tpu.dma_semaphore, #tpu.memory_space<semaphore_mem>>) src(%dma_wait3A_82 : memref<192xi32, #tpu.memory_space<hbm>>) dst(%arg5 : memref<192xi32, #tpu.memory_space<vmem>>)
      tpu.yield
    }) : () -> ()
    %dma_start3A_36 = arith.constant 0 : i32
    %dma_start3A_37 = arith.constant 0 : i32
    %dma_start3A_38 = tpu.memref_slice %arg2[%dma_start3A_36, %dma_start3A_37] : memref<4096x256xf32, #tpu.memory_space<hbm>> -> memref<4096x256xf32, #tpu.memory_space<hbm>>
    tpu.enqueue_indirect_dma source(%dma_start3A_38 : memref<4096x256xf32, #tpu.memory_space<hbm>>) target(%arg7 : memref<192x256xf32, #tpu.memory_space<vmem>>) offsets(%arg5 : memref<192xi32, #tpu.memory_space<vmem>>) semaphore(%arg9 : memref<!tpu.dma_semaphore, #tpu.memory_space<semaphore_mem>>)
    %dma_wait3A_39 = arith.constant 0 : i32
    %dma_wait3A_40 = arith.constant 0 : i32
    %dma_wait3A_41 = tpu.memref_slice %arg2[%dma_wait3A_39, %dma_wait3A_40] : memref<4096x256xf32, #tpu.memory_space<hbm>> -> memref<4096x256xf32, #tpu.memory_space<hbm>>
    tpu.wait_indirect_dma semaphore(%arg10 : memref<!tpu.dma_semaphore, #tpu.memory_space<semaphore_mem>>) src(%dma_wait3A_41 : memref<4096x256xf32, #tpu.memory_space<hbm>>) dst(%arg8 : memref<192x256xf32, #tpu.memory_space<vmem>>)
    %add3A_42 = arith.constant 576 : i32
    %add3A_43 = arith.addi %mul3A_2, %add3A_42 : i32
    "tpu.region"() ({
      %run_scoped3A = tpu.sem_alloc : memref<!tpu.dma_semaphore, #tpu.memory_space<semaphore_mem>>
      %dma_start3A_79 = arith.constant 0 : i32
      %dma_start3A_80 = tpu.memref_slice %arg4[%add3A_43, %dma_start3A_79] : memref<49152x256xf32, #tpu.memory_space<hbm>> -> memref<192x256xf32, #tpu.memory_space<hbm>>
      %dma_start3A_81 = arith.constant 0 : i32
      %dma_start3A_82 = tpu.memref_slice %arg4[%add3A_43, %dma_start3A_81] : memref<49152x256xf32, #tpu.memory_space<hbm>> -> memref<192x256xf32, #tpu.memory_space<hbm>>
      tpu.enqueue_dma source(%arg8 : memref<192x256xf32, #tpu.memory_space<vmem>>) target(%dma_start3A_82 : memref<192x256xf32, #tpu.memory_space<hbm>>) target_semaphore(%run_scoped3A : memref<!tpu.dma_semaphore, #tpu.memory_space<semaphore_mem>>)
      %dma_wait3A_83 = arith.constant 0 : i32
      %dma_wait3A_84 = tpu.memref_slice %arg4[%add3A_43, %dma_wait3A_83] : memref<49152x256xf32, #tpu.memory_space<hbm>> -> memref<192x256xf32, #tpu.memory_space<hbm>>
      %dma_wait3A_85 = arith.constant 0 : i32
      %dma_wait3A_86 = tpu.memref_slice %arg4[%add3A_43, %dma_wait3A_85] : memref<49152x256xf32, #tpu.memory_space<hbm>> -> memref<192x256xf32, #tpu.memory_space<hbm>>
      tpu.wait_dma2 semaphore(%run_scoped3A : memref<!tpu.dma_semaphore, #tpu.memory_space<semaphore_mem>>) src(%arg8 : memref<192x256xf32, #tpu.memory_space<vmem>>) dst(%dma_wait3A_86 : memref<192x256xf32, #tpu.memory_space<hbm>>)
      tpu.yield
    }) : () -> ()
    %add3A_44 = arith.constant 960 : i32
    %add3A_45 = arith.addi %mul3A_2, %add3A_44 : i32
    "tpu.region"() ({
      %run_scoped3A = tpu.sem_alloc : memref<!tpu.dma_semaphore, #tpu.memory_space<semaphore_mem>>
      %dma_start3A_79 = tpu.memref_slice %arg3[%add3A_45] : memref<49152xi32, #tpu.memory_space<hbm>> -> memref<192xi32, #tpu.memory_space<hbm>>
      %dma_start3A_80 = tpu.memref_slice %arg3[%add3A_45] : memref<49152xi32, #tpu.memory_space<hbm>> -> memref<192xi32, #tpu.memory_space<hbm>>
      tpu.enqueue_dma source(%dma_start3A_80 : memref<192xi32, #tpu.memory_space<hbm>>) target(%arg6 : memref<192xi32, #tpu.memory_space<vmem>>) target_semaphore(%run_scoped3A : memref<!tpu.dma_semaphore, #tpu.memory_space<semaphore_mem>>)
      %dma_wait3A_81 = tpu.memref_slice %arg3[%add3A_45] : memref<49152xi32, #tpu.memory_space<hbm>> -> memref<192xi32, #tpu.memory_space<hbm>>
      %dma_wait3A_82 = tpu.memref_slice %arg3[%add3A_45] : memref<49152xi32, #tpu.memory_space<hbm>> -> memref<192xi32, #tpu.memory_space<hbm>>
      tpu.wait_dma2 semaphore(%run_scoped3A : memref<!tpu.dma_semaphore, #tpu.memory_space<semaphore_mem>>) src(%dma_wait3A_82 : memref<192xi32, #tpu.memory_space<hbm>>) dst(%arg6 : memref<192xi32, #tpu.memory_space<vmem>>)
      tpu.yield
    }) : () -> ()
    %dma_start3A_46 = arith.constant 0 : i32
    %dma_start3A_47 = arith.constant 0 : i32
    %dma_start3A_48 = tpu.memref_slice %arg2[%dma_start3A_46, %dma_start3A_47] : memref<4096x256xf32, #tpu.memory_space<hbm>> -> memref<4096x256xf32, #tpu.memory_space<hbm>>
    tpu.enqueue_indirect_dma source(%dma_start3A_48 : memref<4096x256xf32, #tpu.memory_space<hbm>>) target(%arg8 : memref<192x256xf32, #tpu.memory_space<vmem>>) offsets(%arg6 : memref<192xi32, #tpu.memory_space<vmem>>) semaphore(%arg10 : memref<!tpu.dma_semaphore, #tpu.memory_space<semaphore_mem>>)
    %dma_wait3A_49 = arith.constant 0 : i32
    %dma_wait3A_50 = arith.constant 0 : i32
    %dma_wait3A_51 = tpu.memref_slice %arg2[%dma_wait3A_49, %dma_wait3A_50] : memref<4096x256xf32, #tpu.memory_space<hbm>> -> memref<4096x256xf32, #tpu.memory_space<hbm>>
    tpu.wait_indirect_dma semaphore(%arg9 : memref<!tpu.dma_semaphore, #tpu.memory_space<semaphore_mem>>) src(%dma_wait3A_51 : memref<4096x256xf32, #tpu.memory_space<hbm>>) dst(%arg7 : memref<192x256xf32, #tpu.memory_space<vmem>>)
    %add3A_52 = arith.constant 768 : i32
    %add3A_53 = arith.addi %mul3A_2, %add3A_52 : i32
    "tpu.region"() ({
      %run_scoped3A = tpu.sem_alloc : memref<!tpu.dma_semaphore, #tpu.memory_space<semaphore_mem>>
      %dma_start3A_79 = arith.constant 0 : i32
      %dma_start3A_80 = tpu.memref_slice %arg4[%add3A_53, %dma_start3A_79] : memref<49152x256xf32, #tpu.memory_space<hbm>> -> memref<192x256xf32, #tpu.memory_space<hbm>>
      %dma_start3A_81 = arith.constant 0 : i32
      %dma_start3A_82 = tpu.memref_slice %arg4[%add3A_53, %dma_start3A_81] : memref<49152x256xf32, #tpu.memory_space<hbm>> -> memref<192x256xf32, #tpu.memory_space<hbm>>
      tpu.enqueue_dma source(%arg7 : memref<192x256xf32, #tpu.memory_space<vmem>>) target(%dma_start3A_82 : memref<192x256xf32, #tpu.memory_space<hbm>>) target_semaphore(%run_scoped3A : memref<!tpu.dma_semaphore, #tpu.memory_space<semaphore_mem>>)
      %dma_wait3A_83 = arith.constant 0 : i32
      %dma_wait3A_84 = tpu.memref_slice %arg4[%add3A_53, %dma_wait3A_83] : memref<49152x256xf32, #tpu.memory_space<hbm>> -> memref<192x256xf32, #tpu.memory_space<hbm>>
      %dma_wait3A_85 = arith.constant 0 : i32
      %dma_wait3A_86 = tpu.memref_slice %arg4[%add3A_53, %dma_wait3A_85] : memref<49152x256xf32, #tpu.memory_space<hbm>> -> memref<192x256xf32, #tpu.memory_space<hbm>>
      tpu.wait_dma2 semaphore(%run_scoped3A : memref<!tpu.dma_semaphore, #tpu.memory_space<semaphore_mem>>) src(%arg7 : memref<192x256xf32, #tpu.memory_space<vmem>>) dst(%dma_wait3A_86 : memref<192x256xf32, #tpu.memory_space<hbm>>)
      tpu.yield
    }) : () -> ()
    %add3A_54 = arith.constant 1152 : i32
    %add3A_55 = arith.addi %mul3A_2, %add3A_54 : i32
    "tpu.region"() ({
      %run_scoped3A = tpu.sem_alloc : memref<!tpu.dma_semaphore, #tpu.memory_space<semaphore_mem>>
      %dma_start3A_79 = tpu.memref_slice %arg3[%add3A_55] : memref<49152xi32, #tpu.memory_space<hbm>> -> memref<192xi32, #tpu.memory_space<hbm>>
      %dma_start3A_80 = tpu.memref_slice %arg3[%add3A_55] : memref<49152xi32, #tpu.memory_space<hbm>> -> memref<192xi32, #tpu.memory_space<hbm>>
      tpu.enqueue_dma source(%dma_start3A_80 : memref<192xi32, #tpu.memory_space<hbm>>) target(%arg5 : memref<192xi32, #tpu.memory_space<vmem>>) target_semaphore(%run_scoped3A : memref<!tpu.dma_semaphore, #tpu.memory_space<semaphore_mem>>)
      %dma_wait3A_81 = tpu.memref_slice %arg3[%add3A_55] : memref<49152xi32, #tpu.memory_space<hbm>> -> memref<192xi32, #tpu.memory_space<hbm>>
      %dma_wait3A_82 = tpu.memref_slice %arg3[%add3A_55] : memref<49152xi32, #tpu.memory_space<hbm>> -> memref<192xi32, #tpu.memory_space<hbm>>
      tpu.wait_dma2 semaphore(%run_scoped3A : memref<!tpu.dma_semaphore, #tpu.memory_space<semaphore_mem>>) src(%dma_wait3A_82 : memref<192xi32, #tpu.memory_space<hbm>>) dst(%arg5 : memref<192xi32, #tpu.memory_space<vmem>>)
      tpu.yield
    }) : () -> ()
    %dma_start3A_56 = arith.constant 0 : i32
    %dma_start3A_57 = arith.constant 0 : i32
    %dma_start3A_58 = tpu.memref_slice %arg2[%dma_start3A_56, %dma_start3A_57] : memref<4096x256xf32, #tpu.memory_space<hbm>> -> memref<4096x256xf32, #tpu.memory_space<hbm>>
    tpu.enqueue_indirect_dma source(%dma_start3A_58 : memref<4096x256xf32, #tpu.memory_space<hbm>>) target(%arg7 : memref<192x256xf32, #tpu.memory_space<vmem>>) offsets(%arg5 : memref<192xi32, #tpu.memory_space<vmem>>) semaphore(%arg9 : memref<!tpu.dma_semaphore, #tpu.memory_space<semaphore_mem>>)
    %dma_wait3A_59 = arith.constant 0 : i32
    %dma_wait3A_60 = arith.constant 0 : i32
    %dma_wait3A_61 = tpu.memref_slice %arg2[%dma_wait3A_59, %dma_wait3A_60] : memref<4096x256xf32, #tpu.memory_space<hbm>> -> memref<4096x256xf32, #tpu.memory_space<hbm>>
    tpu.wait_indirect_dma semaphore(%arg10 : memref<!tpu.dma_semaphore, #tpu.memory_space<semaphore_mem>>) src(%dma_wait3A_61 : memref<4096x256xf32, #tpu.memory_space<hbm>>) dst(%arg8 : memref<192x256xf32, #tpu.memory_space<vmem>>)
    %add3A_62 = arith.constant 960 : i32
    %add3A_63 = arith.addi %mul3A_2, %add3A_62 : i32
    "tpu.region"() ({
      %run_scoped3A = tpu.sem_alloc : memref<!tpu.dma_semaphore, #tpu.memory_space<semaphore_mem>>
      %dma_start3A_79 = arith.constant 0 : i32
      %dma_start3A_80 = tpu.memref_slice %arg4[%add3A_63, %dma_start3A_79] : memref<49152x256xf32, #tpu.memory_space<hbm>> -> memref<192x256xf32, #tpu.memory_space<hbm>>
      %dma_start3A_81 = arith.constant 0 : i32
      %dma_start3A_82 = tpu.memref_slice %arg4[%add3A_63, %dma_start3A_81] : memref<49152x256xf32, #tpu.memory_space<hbm>> -> memref<192x256xf32, #tpu.memory_space<hbm>>
      tpu.enqueue_dma source(%arg8 : memref<192x256xf32, #tpu.memory_space<vmem>>) target(%dma_start3A_82 : memref<192x256xf32, #tpu.memory_space<hbm>>) target_semaphore(%run_scoped3A : memref<!tpu.dma_semaphore, #tpu.memory_space<semaphore_mem>>)
      %dma_wait3A_83 = arith.constant 0 : i32
      %dma_wait3A_84 = tpu.memref_slice %arg4[%add3A_63, %dma_wait3A_83] : memref<49152x256xf32, #tpu.memory_space<hbm>> -> memref<192x256xf32, #tpu.memory_space<hbm>>
      %dma_wait3A_85 = arith.constant 0 : i32
      %dma_wait3A_86 = tpu.memref_slice %arg4[%add3A_63, %dma_wait3A_85] : memref<49152x256xf32, #tpu.memory_space<hbm>> -> memref<192x256xf32, #tpu.memory_space<hbm>>
      tpu.wait_dma2 semaphore(%run_scoped3A : memref<!tpu.dma_semaphore, #tpu.memory_space<semaphore_mem>>) src(%arg8 : memref<192x256xf32, #tpu.memory_space<vmem>>) dst(%dma_wait3A_86 : memref<192x256xf32, #tpu.memory_space<hbm>>)
      tpu.yield
    }) : () -> ()
    %add3A_64 = arith.constant 1344 : i32
    %add3A_65 = arith.addi %mul3A_2, %add3A_64 : i32
    "tpu.region"() ({
      %run_scoped3A = tpu.sem_alloc : memref<!tpu.dma_semaphore, #tpu.memory_space<semaphore_mem>>
      %dma_start3A_79 = tpu.memref_slice %arg3[%add3A_65] : memref<49152xi32, #tpu.memory_space<hbm>> -> memref<192xi32, #tpu.memory_space<hbm>>
      %dma_start3A_80 = tpu.memref_slice %arg3[%add3A_65] : memref<49152xi32, #tpu.memory_space<hbm>> -> memref<192xi32, #tpu.memory_space<hbm>>
      tpu.enqueue_dma source(%dma_start3A_80 : memref<192xi32, #tpu.memory_space<hbm>>) target(%arg6 : memref<192xi32, #tpu.memory_space<vmem>>) target_semaphore(%run_scoped3A : memref<!tpu.dma_semaphore, #tpu.memory_space<semaphore_mem>>)
      %dma_wait3A_81 = tpu.memref_slice %arg3[%add3A_65] : memref<49152xi32, #tpu.memory_space<hbm>> -> memref<192xi32, #tpu.memory_space<hbm>>
      %dma_wait3A_82 = tpu.memref_slice %arg3[%add3A_65] : memref<49152xi32, #tpu.memory_space<hbm>> -> memref<192xi32, #tpu.memory_space<hbm>>
      tpu.wait_dma2 semaphore(%run_scoped3A : memref<!tpu.dma_semaphore, #tpu.memory_space<semaphore_mem>>) src(%dma_wait3A_82 : memref<192xi32, #tpu.memory_space<hbm>>) dst(%arg6 : memref<192xi32, #tpu.memory_space<vmem>>)
      tpu.yield
    }) : () -> ()
    %dma_start3A_66 = arith.constant 0 : i32
    %dma_start3A_67 = arith.constant 0 : i32
    %dma_start3A_68 = tpu.memref_slice %arg2[%dma_start3A_66, %dma_start3A_67] : memref<4096x256xf32, #tpu.memory_space<hbm>> -> memref<4096x256xf32, #tpu.memory_space<hbm>>
    tpu.enqueue_indirect_dma source(%dma_start3A_68 : memref<4096x256xf32, #tpu.memory_space<hbm>>) target(%arg8 : memref<192x256xf32, #tpu.memory_space<vmem>>) offsets(%arg6 : memref<192xi32, #tpu.memory_space<vmem>>) semaphore(%arg10 : memref<!tpu.dma_semaphore, #tpu.memory_space<semaphore_mem>>)
    %dma_wait3A_69 = arith.constant 0 : i32
    %dma_wait3A_70 = arith.constant 0 : i32
    %dma_wait3A_71 = tpu.memref_slice %arg2[%dma_wait3A_69, %dma_wait3A_70] : memref<4096x256xf32, #tpu.memory_space<hbm>> -> memref<4096x256xf32, #tpu.memory_space<hbm>>
    tpu.wait_indirect_dma semaphore(%arg9 : memref<!tpu.dma_semaphore, #tpu.memory_space<semaphore_mem>>) src(%dma_wait3A_71 : memref<4096x256xf32, #tpu.memory_space<hbm>>) dst(%arg7 : memref<192x256xf32, #tpu.memory_space<vmem>>)
    %add3A_72 = arith.constant 1152 : i32
    %add3A_73 = arith.addi %mul3A_2, %add3A_72 : i32
    "tpu.region"() ({
      %run_scoped3A = tpu.sem_alloc : memref<!tpu.dma_semaphore, #tpu.memory_space<semaphore_mem>>
      %dma_start3A_79 = arith.constant 0 : i32
      %dma_start3A_80 = tpu.memref_slice %arg4[%add3A_73, %dma_start3A_79] : memref<49152x256xf32, #tpu.memory_space<hbm>> -> memref<192x256xf32, #tpu.memory_space<hbm>>
      %dma_start3A_81 = arith.constant 0 : i32
      %dma_start3A_82 = tpu.memref_slice %arg4[%add3A_73, %dma_start3A_81] : memref<49152x256xf32, #tpu.memory_space<hbm>> -> memref<192x256xf32, #tpu.memory_space<hbm>>
      tpu.enqueue_dma source(%arg7 : memref<192x256xf32, #tpu.memory_space<vmem>>) target(%dma_start3A_82 : memref<192x256xf32, #tpu.memory_space<hbm>>) target_semaphore(%run_scoped3A : memref<!tpu.dma_semaphore, #tpu.memory_space<semaphore_mem>>)
      %dma_wait3A_83 = arith.constant 0 : i32
      %dma_wait3A_84 = tpu.memref_slice %arg4[%add3A_73, %dma_wait3A_83] : memref<49152x256xf32, #tpu.memory_space<hbm>> -> memref<192x256xf32, #tpu.memory_space<hbm>>
      %dma_wait3A_85 = arith.constant 0 : i32
      %dma_wait3A_86 = tpu.memref_slice %arg4[%add3A_73, %dma_wait3A_85] : memref<49152x256xf32, #tpu.memory_space<hbm>> -> memref<192x256xf32, #tpu.memory_space<hbm>>
      tpu.wait_dma2 semaphore(%run_scoped3A : memref<!tpu.dma_semaphore, #tpu.memory_space<semaphore_mem>>) src(%arg7 : memref<192x256xf32, #tpu.memory_space<vmem>>) dst(%dma_wait3A_86 : memref<192x256xf32, #tpu.memory_space<hbm>>)
      tpu.yield
    }) : () -> ()
    %dma_wait3A_74 = arith.constant 0 : i32
    %dma_wait3A_75 = arith.constant 0 : i32
    %dma_wait3A_76 = tpu.memref_slice %arg2[%dma_wait3A_74, %dma_wait3A_75] : memref<4096x256xf32, #tpu.memory_space<hbm>> -> memref<4096x256xf32, #tpu.memory_space<hbm>>
    tpu.wait_indirect_dma semaphore(%arg10 : memref<!tpu.dma_semaphore, #tpu.memory_space<semaphore_mem>>) src(%dma_wait3A_76 : memref<4096x256xf32, #tpu.memory_space<hbm>>) dst(%arg8 : memref<192x256xf32, #tpu.memory_space<vmem>>)
    %add3A_77 = arith.constant 1344 : i32
    %add3A_78 = arith.addi %mul3A_2, %add3A_77 : i32
    "tpu.region"() ({
      %run_scoped3A = tpu.sem_alloc : memref<!tpu.dma_semaphore, #tpu.memory_space<semaphore_mem>>
      %dma_start3A_79 = arith.constant 0 : i32
      %dma_start3A_80 = tpu.memref_slice %arg4[%add3A_78, %dma_start3A_79] : memref<49152x256xf32, #tpu.memory_space<hbm>> -> memref<192x256xf32, #tpu.memory_space<hbm>>
      %dma_start3A_81 = arith.constant 0 : i32
      %dma_start3A_82 = tpu.memref_slice %arg4[%add3A_78, %dma_start3A_81] : memref<49152x256xf32, #tpu.memory_space<hbm>> -> memref<192x256xf32, #tpu.memory_space<hbm>>
      tpu.enqueue_dma source(%arg8 : memref<192x256xf32, #tpu.memory_space<vmem>>) target(%dma_start3A_82 : memref<192x256xf32, #tpu.memory_space<hbm>>) target_semaphore(%run_scoped3A : memref<!tpu.dma_semaphore, #tpu.memory_space<semaphore_mem>>)
      %dma_wait3A_83 = arith.constant 0 : i32
      %dma_wait3A_84 = tpu.memref_slice %arg4[%add3A_78, %dma_wait3A_83] : memref<49152x256xf32, #tpu.memory_space<hbm>> -> memref<192x256xf32, #tpu.memory_space<hbm>>
      %dma_wait3A_85 = arith.constant 0 : i32
      %dma_wait3A_86 = tpu.memref_slice %arg4[%add3A_78, %dma_wait3A_85] : memref<49152x256xf32, #tpu.memory_space<hbm>> -> memref<192x256xf32, #tpu.memory_space<hbm>>
      tpu.wait_dma2 semaphore(%run_scoped3A : memref<!tpu.dma_semaphore, #tpu.memory_space<semaphore_mem>>) src(%arg8 : memref<192x256xf32, #tpu.memory_space<vmem>>) dst(%dma_wait3A_86 : memref<192x256xf32, #tpu.memory_space<hbm>>)
      tpu.yield
    }) : () -> ()
    return
  }
}

module attributes {stable_mosaic.version = 14 : i64} {
  func.func @_topk_body(%arg0: i32, %arg1: memref<1024x21xbf16, #tpu.memory_space<vmem>>, %arg2: memref<21x4096xbf16, #tpu.memory_space<vmem>>, %arg3: memref<1024x1xf32, #tpu.memory_space<vmem>>, %arg4: memref<1024x3xi32, #tpu.memory_space<vmem>>, %arg5: memref<1024x3xf32, #tpu.memory_space<vmem>>) attributes {dimension_semantics = [#tpu.dimension_semantics<arbitrary>], iteration_bounds = array<i64: 16>, scalar_prefetch = 0 : i64, scratch_operands = 0 : i64, tpu.core_type = #tpu.core_type<tc>, window_params = [{transform_indices = @transform_0, window_bounds = array<i64: 1024, 21>}, {pipeline_mode = #tpu.pipeline_mode<synchronous>, transform_indices = @transform_1, window_bounds = array<i64: 21, 4096>}, {transform_indices = @transform_2, window_bounds = array<i64: 1024, 1>}, {transform_indices = @transform_3, window_bounds = array<i64: 1024, 3>}, {transform_indices = @transform_4, window_bounds = array<i64: 1024, 3>}]} {
    %get3A = arith.constant 0 : index
    %get3A_0 = arith.constant 0 : index
    %get3A_1 = vector.load %arg1[%get3A, %get3A_0] : memref<1024x21xbf16, #tpu.memory_space<vmem>>, vector<1024x21xbf16>
    %get3A_2 = arith.constant 0 : index
    %get3A_3 = arith.constant 0 : index
    %get3A_4 = vector.load %arg2[%get3A_2, %get3A_3] : memref<21x4096xbf16, #tpu.memory_space<vmem>>, vector<21x4096xbf16>
    %dot_general3A = arith.constant dense<0.000000e+00> : vector<1024x4096xf32>
    %dot_general3A_5 = tpu.matmul %get3A_1, %get3A_4, %dot_general3A {dimension_numbers = #tpu.dot_dimension_numbers<[1], [0], [0], [1], [0, 0, 1, 1], [], []>, transpose_lhs_hint = false} : vector<1024x21xbf16>, vector<21x4096xbf16>, vector<1024x4096xf32> -> vector<1024x4096xf32>
    %iota3A = tpu.iota {dimensions = array<i32: 1>} : vector<1024x4096xi32>
    %convert_element_type3A = arith.sitofp %iota3A : vector<1024x4096xi32> to vector<1024x4096xf32>
    %reduce_min3A = arith.constant dense<0x7F800000> : vector<1024xf32>
    %reduce_min3A_6 = vector.multi_reduction <minimumf>, %dot_general3A_5, %reduce_min3A [1] : vector<1024x4096xf32> to vector<1024xf32>
    %broadcast_in_dim3A = vector.shape_cast %reduce_min3A_6 : vector<1024xf32> to vector<1024x1xf32>
    %eq3A = vector.broadcast %broadcast_in_dim3A : vector<1024x1xf32> to vector<1024x4096xf32>
    %eq3A_7 = arith.cmpf oeq, %dot_general3A_5, %eq3A : vector<1024x4096xf32>
    %jit3A = arith.constant 4.096000e+03 : f32
    %broadcast_in_dim3A_8 = vector.broadcast %jit3A : f32 to vector<1024x4096xf32>
    %select_n3A = arith.select %eq3A_7, %convert_element_type3A, %broadcast_in_dim3A_8 : vector<1024x4096xi1>, vector<1024x4096xf32>
    %reduce_min3A_9 = arith.constant dense<0x7F800000> : vector<1024xf32>
    %reduce_min3A_10 = vector.multi_reduction <minimumf>, %select_n3A, %reduce_min3A_9 [1] : vector<1024x4096xf32> to vector<1024xf32>
    %broadcast_in_dim3A_11 = vector.shape_cast %reduce_min3A_10 : vector<1024xf32> to vector<1024x1xf32>
    %eq3A_12 = vector.broadcast %broadcast_in_dim3A_11 : vector<1024x1xf32> to vector<1024x4096xf32>
    %eq3A_13 = arith.cmpf oeq, %select_n3A, %eq3A_12 : vector<1024x4096xf32>
    %jit3A_14 = arith.constant 0x7F800000 : f32
    %broadcast_in_dim3A_15 = vector.broadcast %jit3A_14 : f32 to vector<1024x4096xf32>
    %select_n3A_16 = arith.select %eq3A_13, %broadcast_in_dim3A_15, %dot_general3A_5 : vector<1024x4096xi1>, vector<1024x4096xf32>
    %reduce_min3A_17 = arith.constant dense<0x7F800000> : vector<1024xf32>
    %reduce_min3A_18 = vector.multi_reduction <minimumf>, %select_n3A_16, %reduce_min3A_17 [1] : vector<1024x4096xf32> to vector<1024xf32>
    %broadcast_in_dim3A_19 = vector.shape_cast %reduce_min3A_18 : vector<1024xf32> to vector<1024x1xf32>
    %eq3A_20 = vector.broadcast %broadcast_in_dim3A_19 : vector<1024x1xf32> to vector<1024x4096xf32>
    %eq3A_21 = arith.cmpf oeq, %select_n3A_16, %eq3A_20 : vector<1024x4096xf32>
    %jit3A_22 = arith.constant 4.096000e+03 : f32
    %broadcast_in_dim3A_23 = vector.broadcast %jit3A_22 : f32 to vector<1024x4096xf32>
    %select_n3A_24 = arith.select %eq3A_21, %convert_element_type3A, %broadcast_in_dim3A_23 : vector<1024x4096xi1>, vector<1024x4096xf32>
    %reduce_min3A_25 = arith.constant dense<0x7F800000> : vector<1024xf32>
    %reduce_min3A_26 = vector.multi_reduction <minimumf>, %select_n3A_24, %reduce_min3A_25 [1] : vector<1024x4096xf32> to vector<1024xf32>
    %broadcast_in_dim3A_27 = vector.shape_cast %reduce_min3A_26 : vector<1024xf32> to vector<1024x1xf32>
    %eq3A_28 = vector.broadcast %broadcast_in_dim3A_27 : vector<1024x1xf32> to vector<1024x4096xf32>
    %eq3A_29 = arith.cmpf oeq, %select_n3A_24, %eq3A_28 : vector<1024x4096xf32>
    %jit3A_30 = arith.constant 0x7F800000 : f32
    %broadcast_in_dim3A_31 = vector.broadcast %jit3A_30 : f32 to vector<1024x4096xf32>
    %select_n3A_32 = arith.select %eq3A_29, %broadcast_in_dim3A_31, %select_n3A_16 : vector<1024x4096xi1>, vector<1024x4096xf32>
    %reduce_min3A_33 = arith.constant dense<0x7F800000> : vector<1024xf32>
    %reduce_min3A_34 = vector.multi_reduction <minimumf>, %select_n3A_32, %reduce_min3A_33 [1] : vector<1024x4096xf32> to vector<1024xf32>
    %broadcast_in_dim3A_35 = vector.shape_cast %reduce_min3A_34 : vector<1024xf32> to vector<1024x1xf32>
    %eq3A_36 = vector.broadcast %broadcast_in_dim3A_35 : vector<1024x1xf32> to vector<1024x4096xf32>
    %eq3A_37 = arith.cmpf oeq, %select_n3A_32, %eq3A_36 : vector<1024x4096xf32>
    %jit3A_38 = arith.constant 4.096000e+03 : f32
    %broadcast_in_dim3A_39 = vector.broadcast %jit3A_38 : f32 to vector<1024x4096xf32>
    %select_n3A_40 = arith.select %eq3A_37, %convert_element_type3A, %broadcast_in_dim3A_39 : vector<1024x4096xi1>, vector<1024x4096xf32>
    %reduce_min3A_41 = arith.constant dense<0x7F800000> : vector<1024xf32>
    %reduce_min3A_42 = vector.multi_reduction <minimumf>, %select_n3A_40, %reduce_min3A_41 [1] : vector<1024x4096xf32> to vector<1024xf32>
    %broadcast_in_dim3A_43 = vector.shape_cast %reduce_min3A_42 : vector<1024xf32> to vector<1024x1xf32>
    %get3A_44 = arith.constant 0 : index
    %get3A_45 = arith.constant 0 : index
    %get3A_46 = vector.load %arg3[%get3A_44, %get3A_45] : memref<1024x1xf32, #tpu.memory_space<vmem>>, vector<1024x1xf32>
    %add3A = arith.addf %broadcast_in_dim3A, %get3A_46 : vector<1024x1xf32>
    %max3A = arith.constant 1.000000e-16 : f32
    %max3A_47 = vector.broadcast %max3A : f32 to vector<1024x1xf32>
    %max3A_48 = arith.maximumf %add3A, %max3A_47 : vector<1024x1xf32>
    %div3A = arith.constant 1.000000e+00 : f32
    %div3A_49 = vector.broadcast %div3A : f32 to vector<1024x1xf32>
    %div3A_50 = arith.divf %div3A_49, %max3A_48 : vector<1024x1xf32>
    %add3A_51 = arith.addf %broadcast_in_dim3A_19, %get3A_46 : vector<1024x1xf32>
    %max3A_52 = arith.constant 1.000000e-16 : f32
    %max3A_53 = vector.broadcast %max3A_52 : f32 to vector<1024x1xf32>
    %max3A_54 = arith.maximumf %add3A_51, %max3A_53 : vector<1024x1xf32>
    %div3A_55 = arith.constant 1.000000e+00 : f32
    %div3A_56 = vector.broadcast %div3A_55 : f32 to vector<1024x1xf32>
    %div3A_57 = arith.divf %div3A_56, %max3A_54 : vector<1024x1xf32>
    %add3A_58 = arith.addf %broadcast_in_dim3A_35, %get3A_46 : vector<1024x1xf32>
    %max3A_59 = arith.constant 1.000000e-16 : f32
    %max3A_60 = vector.broadcast %max3A_59 : f32 to vector<1024x1xf32>
    %max3A_61 = arith.maximumf %add3A_58, %max3A_60 : vector<1024x1xf32>
    %div3A_62 = arith.constant 1.000000e+00 : f32
    %div3A_63 = vector.broadcast %div3A_62 : f32 to vector<1024x1xf32>
    %div3A_64 = arith.divf %div3A_63, %max3A_61 : vector<1024x1xf32>
    %add3A_65 = arith.addf %div3A_50, %div3A_57 : vector<1024x1xf32>
    %add3A_66 = arith.addf %add3A_65, %div3A_64 : vector<1024x1xf32>
    %convert_element_type3A_67 = arith.fptosi %broadcast_in_dim3A_11 : vector<1024x1xf32> to vector<1024x1xi32>
    %convert_element_type3A_68 = arith.fptosi %broadcast_in_dim3A_27 : vector<1024x1xf32> to vector<1024x1xi32>
    %convert_element_type3A_69 = arith.fptosi %broadcast_in_dim3A_43 : vector<1024x1xf32> to vector<1024x1xi32>
    %concatenate3A = tpu.concatenate %convert_element_type3A_67, %convert_element_type3A_68, %convert_element_type3A_69 in 1 : vector<1024x1xi32>, vector<1024x1xi32>, vector<1024x1xi32> -> vector<1024x3xi32>
    %swap3A = arith.constant 0 : index
    %swap3A_70 = arith.constant 0 : index
    %swap3A_71 = vector.load %arg4[%swap3A, %swap3A_70] : memref<1024x3xi32, #tpu.memory_space<vmem>>, vector<1024x3xi32>
    tpu.vector_store %arg4[%swap3A, %swap3A_70], %concatenate3A {strides = array<i32>} : memref<1024x3xi32, #tpu.memory_space<vmem>>, vector<1024x3xi32>,
    %div3A_72 = arith.divf %div3A_50, %add3A_66 : vector<1024x1xf32>
    %div3A_73 = arith.divf %div3A_57, %add3A_66 : vector<1024x1xf32>
    %div3A_74 = arith.divf %div3A_64, %add3A_66 : vector<1024x1xf32>
    %concatenate3A_75 = tpu.concatenate %div3A_72, %div3A_73, %div3A_74 in 1 : vector<1024x1xf32>, vector<1024x1xf32>, vector<1024x1xf32> -> vector<1024x3xf32>
    %swap3A_76 = arith.constant 0 : index
    %swap3A_77 = arith.constant 0 : index
    %swap3A_78 = vector.load %arg5[%swap3A_76, %swap3A_77] : memref<1024x3xf32, #tpu.memory_space<vmem>>, vector<1024x3xf32>
    tpu.vector_store %arg5[%swap3A_76, %swap3A_77], %concatenate3A_75 {strides = array<i32>} : memref<1024x3xf32, #tpu.memory_space<vmem>>, vector<1024x3xf32>,
    return
  }
  func.func @transform_0(%arg0: i32) -> (i32, i32) {
    %c0_i32 = arith.constant 0 : i32
    %c0_i32_0 = arith.constant 0 : i32
    return %arg0, %c0_i32 : i32, i32
  }
  func.func @transform_1(%arg0: i32) -> (i32, i32) {
    %c0_i32 = arith.constant 0 : i32
    %c0_i32_0 = arith.constant 0 : i32
    %c0_i32_1 = arith.constant 0 : i32
    return %c0_i32, %c0_i32_0 : i32, i32
  }
  func.func @transform_2(%arg0: i32) -> (i32, i32) {
    %c0_i32 = arith.constant 0 : i32
    %c0_i32_0 = arith.constant 0 : i32
    return %arg0, %c0_i32 : i32, i32
  }
  func.func @transform_3(%arg0: i32) -> (i32, i32) {
    %c0_i32 = arith.constant 0 : i32
    %c0_i32_0 = arith.constant 0 : i32
    return %arg0, %c0_i32 : i32, i32
  }
  func.func @transform_4(%arg0: i32) -> (i32, i32) {
    %c0_i32 = arith.constant 0 : i32
    %c0_i32_0 = arith.constant 0 : i32
    return %arg0, %c0_i32 : i32, i32
  }
}

module attributes {stable_mosaic.version = 14 : i64} {
  func.func @_mlp_body(%arg0: i32, %arg1: memref<1024x256xf32, #tpu.memory_space<vmem>>, %arg2: memref<1024x256xf32, #tpu.memory_space<vmem>>, %arg3: memref<1024x256xf32, #tpu.memory_space<vmem>>, %arg4: memref<1024x3xf32, #tpu.memory_space<vmem>>, %arg5: memref<1024x128xf32, #tpu.memory_space<vmem>>, %arg6: memref<256x256xf32, #tpu.memory_space<vmem>>, %arg7: memref<128x256xf32, #tpu.memory_space<vmem>>, %arg8: memref<256xf32, #tpu.memory_space<vmem>>, %arg9: memref<256x256xf32, #tpu.memory_space<vmem>>, %arg10: memref<256xf32, #tpu.memory_space<vmem>>, %arg11: memref<1024x256xf32, #tpu.memory_space<vmem>>) attributes {dimension_semantics = [#tpu.dimension_semantics<arbitrary>], iteration_bounds = array<i64: 16>, scalar_prefetch = 0 : i64, scratch_operands = 0 : i64, tpu.core_type = #tpu.core_type<tc>, window_params = [{transform_indices = @transform_0, window_bounds = array<i64: 1024, 256>}, {transform_indices = @transform_1, window_bounds = array<i64: 1024, 256>}, {transform_indices = @transform_2, window_bounds = array<i64: 1024, 256>}, {transform_indices = @transform_3, window_bounds = array<i64: 1024, 3>}, {transform_indices = @transform_4, window_bounds = array<i64: 1024, 128>}, {transform_indices = @transform_5, window_bounds = array<i64: 256, 256>}, {transform_indices = @transform_6, window_bounds = array<i64: 128, 256>}, {pipeline_mode = #tpu.pipeline_mode<synchronous>, transform_indices = @transform_7, window_bounds = array<i64: 256>}, {pipeline_mode = #tpu.pipeline_mode<synchronous>, transform_indices = @transform_8, window_bounds = array<i64: 256, 256>}, {pipeline_mode = #tpu.pipeline_mode<synchronous>, transform_indices = @transform_9, window_bounds = array<i64: 256>}, {transform_indices = @transform_10, window_bounds = array<i64: 1024, 256>}]} {
    %get3A = arith.constant 0 : index
    %get3A_0 = arith.constant 0 : index
    %get3A_1 = vector.load %arg4[%get3A, %get3A_0] : memref<1024x3xf32, #tpu.memory_space<vmem>>, vector<1024x3xf32>
    %slice3A = vector.extract_strided_slice %get3A_1 {offsets = [0, 0], sizes = [1024, 1], strides = [1, 1]} : vector<1024x3xf32> to vector<1024x1xf32>
    %get3A_2 = arith.constant 0 : index
    %get3A_3 = arith.constant 0 : index
    %get3A_4 = vector.load %arg1[%get3A_2, %get3A_3] : memref<1024x256xf32, #tpu.memory_space<vmem>>, vector<1024x256xf32>
    %mul3A = vector.broadcast %slice3A : vector<1024x1xf32> to vector<1024x256xf32>
    %mul3A_5 = arith.mulf %mul3A, %get3A_4 : vector<1024x256xf32>
    %slice3A_6 = vector.extract_strided_slice %get3A_1 {offsets = [0, 1], sizes = [1024, 1], strides = [1, 1]} : vector<1024x3xf32> to vector<1024x1xf32>
    %get3A_7 = arith.constant 0 : index
    %get3A_8 = arith.constant 0 : index
    %get3A_9 = vector.load %arg2[%get3A_7, %get3A_8] : memref<1024x256xf32, #tpu.memory_space<vmem>>, vector<1024x256xf32>
    %mul3A_10 = vector.broadcast %slice3A_6 : vector<1024x1xf32> to vector<1024x256xf32>
    %mul3A_11 = arith.mulf %mul3A_10, %get3A_9 : vector<1024x256xf32>
    %add3A = arith.addf %mul3A_5, %mul3A_11 : vector<1024x256xf32>
    %slice3A_12 = vector.extract_strided_slice %get3A_1 {offsets = [0, 2], sizes = [1024, 1], strides = [1, 1]} : vector<1024x3xf32> to vector<1024x1xf32>
    %get3A_13 = arith.constant 0 : index
    %get3A_14 = arith.constant 0 : index
    %get3A_15 = vector.load %arg3[%get3A_13, %get3A_14] : memref<1024x256xf32, #tpu.memory_space<vmem>>, vector<1024x256xf32>
    %mul3A_16 = vector.broadcast %slice3A_12 : vector<1024x1xf32> to vector<1024x256xf32>
    %mul3A_17 = arith.mulf %mul3A_16, %get3A_15 : vector<1024x256xf32>
    %add3A_18 = arith.addf %add3A, %mul3A_17 : vector<1024x256xf32>
    %get3A_19 = arith.constant 0 : index
    %get3A_20 = arith.constant 0 : index
    %get3A_21 = vector.load %arg6[%get3A_19, %get3A_20] : memref<256x256xf32, #tpu.memory_space<vmem>>, vector<256x256xf32>
    %dot_general3A = arith.constant dense<0.000000e+00> : vector<1024x256xf32>
    %dot_general3A_22 = tpu.matmul %add3A_18, %get3A_21, %dot_general3A {dimension_numbers = #tpu.dot_dimension_numbers<[1], [0], [0], [1], [0, 0, 1, 1], [], []>, transpose_lhs_hint = false} : vector<1024x256xf32>, vector<256x256xf32>, vector<1024x256xf32> -> vector<1024x256xf32>
    %get3A_23 = arith.constant 0 : index
    %get3A_24 = arith.constant 0 : index
    %get3A_25 = vector.load %arg5[%get3A_23, %get3A_24] : memref<1024x128xf32, #tpu.memory_space<vmem>>, vector<1024x128xf32>
    %get3A_26 = arith.constant 0 : index
    %get3A_27 = arith.constant 0 : index
    %get3A_28 = vector.load %arg7[%get3A_26, %get3A_27] : memref<128x256xf32, #tpu.memory_space<vmem>>, vector<128x256xf32>
    %dot_general3A_29 = arith.constant dense<0.000000e+00> : vector<1024x256xf32>
    %dot_general3A_30 = tpu.matmul %get3A_25, %get3A_28, %dot_general3A_29 {dimension_numbers = #tpu.dot_dimension_numbers<[1], [0], [0], [1], [0, 0, 1, 1], [], []>, transpose_lhs_hint = false} : vector<1024x128xf32>, vector<128x256xf32>, vector<1024x256xf32> -> vector<1024x256xf32>
    %add3A_31 = arith.addf %dot_general3A_22, %dot_general3A_30 : vector<1024x256xf32>
    %get3A_32 = arith.constant 0 : index
    %get3A_33 = vector.load %arg8[%get3A_32] : memref<256xf32, #tpu.memory_space<vmem>>, vector<256xf32>
    %broadcast_in_dim3A = vector.shape_cast %get3A_33 : vector<256xf32> to vector<1x256xf32>
    %add3A_34 = vector.broadcast %broadcast_in_dim3A : vector<1x256xf32> to vector<1024x256xf32>
    %add3A_35 = arith.addf %add3A_31, %add3A_34 : vector<1024x256xf32>
    %max3A = arith.constant 0.000000e+00 : f32
    %max3A_36 = vector.broadcast %max3A : f32 to vector<1024x256xf32>
    %max3A_37 = arith.maximumf %add3A_35, %max3A_36 : vector<1024x256xf32>
    %get3A_38 = arith.constant 0 : index
    %get3A_39 = arith.constant 0 : index
    %get3A_40 = vector.load %arg9[%get3A_38, %get3A_39] : memref<256x256xf32, #tpu.memory_space<vmem>>, vector<256x256xf32>
    %dot_general3A_41 = arith.constant dense<0.000000e+00> : vector<1024x256xf32>
    %dot_general3A_42 = tpu.matmul %max3A_37, %get3A_40, %dot_general3A_41 {dimension_numbers = #tpu.dot_dimension_numbers<[1], [0], [0], [1], [0, 0, 1, 1], [], []>, transpose_lhs_hint = false} : vector<1024x256xf32>, vector<256x256xf32>, vector<1024x256xf32> -> vector<1024x256xf32>
    %get3A_43 = arith.constant 0 : index
    %get3A_44 = vector.load %arg10[%get3A_43] : memref<256xf32, #tpu.memory_space<vmem>>, vector<256xf32>
    %broadcast_in_dim3A_45 = vector.shape_cast %get3A_44 : vector<256xf32> to vector<1x256xf32>
    %add3A_46 = vector.broadcast %broadcast_in_dim3A_45 : vector<1x256xf32> to vector<1024x256xf32>
    %add3A_47 = arith.addf %dot_general3A_42, %add3A_46 : vector<1024x256xf32>
    %max3A_48 = arith.constant 0.000000e+00 : f32
    %max3A_49 = vector.broadcast %max3A_48 : f32 to vector<1024x256xf32>
    %max3A_50 = arith.maximumf %add3A_47, %max3A_49 : vector<1024x256xf32>
    %swap3A = arith.constant 0 : index
    %swap3A_51 = arith.constant 0 : index
    %swap3A_52 = vector.load %arg11[%swap3A, %swap3A_51] : memref<1024x256xf32, #tpu.memory_space<vmem>>, vector<1024x256xf32>
    tpu.vector_store %arg11[%swap3A, %swap3A_51], %max3A_50 {strides = array<i32>} : memref<1024x256xf32, #tpu.memory_space<vmem>>, vector<1024x256xf32>,
    return
  }
  func.func @transform_0(%arg0: i32) -> (i32, i32) {
    %c0_i32 = arith.constant 0 : i32
    %c0_i32_0 = arith.constant 0 : i32
    return %arg0, %c0_i32 : i32, i32
  }
  func.func @transform_1(%arg0: i32) -> (i32, i32) {
    %add3A = arith.constant 16 : i32
    %add3A_0 = arith.addi %arg0, %add3A : i32
    %c0_i32 = arith.constant 0 : i32
    %c0_i32_1 = arith.constant 0 : i32
    return %add3A_0, %c0_i32 : i32, i32
  }
  func.func @transform_2(%arg0: i32) -> (i32, i32) {
    %add3A = arith.constant 32 : i32
    %add3A_0 = arith.addi %arg0, %add3A : i32
    %c0_i32 = arith.constant 0 : i32
    %c0_i32_1 = arith.constant 0 : i32
    return %add3A_0, %c0_i32 : i32, i32
  }
  func.func @transform_3(%arg0: i32) -> (i32, i32) {
    %c0_i32 = arith.constant 0 : i32
    %c0_i32_0 = arith.constant 0 : i32
    return %arg0, %c0_i32 : i32, i32
  }
  func.func @transform_4(%arg0: i32) -> (i32, i32) {
    %c0_i32 = arith.constant 0 : i32
    %c0_i32_0 = arith.constant 0 : i32
    return %arg0, %c0_i32 : i32, i32
  }
  func.func @transform_5(%arg0: i32) -> (i32, i32) {
    %c0_i32 = arith.constant 0 : i32
    %c0_i32_0 = arith.constant 0 : i32
    %c0_i32_1 = arith.constant 0 : i32
    return %c0_i32, %c0_i32_0 : i32, i32
  }
  func.func @transform_6(%arg0: i32) -> (i32, i32) {
    %c2_i32 = arith.constant 2 : i32
    %c0_i32 = arith.constant 0 : i32
    %c0_i32_0 = arith.constant 0 : i32
    return %c2_i32, %c0_i32 : i32, i32
  }
  func.func @transform_7(%arg0: i32) -> i32 {
    %c0_i32 = arith.constant 0 : i32
    %c0_i32_0 = arith.constant 0 : i32
    return %c0_i32 : i32
  }
  func.func @transform_8(%arg0: i32) -> (i32, i32) {
    %c0_i32 = arith.constant 0 : i32
    %c0_i32_0 = arith.constant 0 : i32
    %c0_i32_1 = arith.constant 0 : i32
    return %c0_i32, %c0_i32_0 : i32, i32
  }
  func.func @transform_9(%arg0: i32) -> i32 {
    %c0_i32 = arith.constant 0 : i32
    %c0_i32_0 = arith.constant 0 : i32
    return %c0_i32 : i32
  }
  func.func @transform_10(%arg0: i32) -> (i32, i32) {
    %c0_i32 = arith.constant 0 : i32
    %c0_i32_0 = arith.constant 0 : i32
    return %arg0, %c0_i32 : i32, i32
  }
}

</mosaic_0001>

<sc_bundles>
// kernel: kernel.5.cloned.1.call-start
scs
__scs_entry_jumppad:
0x0: {  	(pc) =	sbr.rel $0x88, $3  }
0x1: {  	(tag) =	ssettag $0x0;
	lr =	simm.s32 $0x1  }
0x2: {  	[smem:$0x3F98] =	sst lr;
	_ =	strace $0xD0000000  }
0x3: {  	_ = 	snop  }
0x4: {  	_ = 	snop  }
0x5: {  	_ = 	snop  }
0x6: {  	_ = 	snop  }
0x7: {  	_ = 	snop  }
__scs_overlays_trampoline_lowered:
0x8: {  	[smem:$0x3FA7] =	sst s0  }
0x9: {  	[smem:$0x3FA8] =	sst s1  }
0xa: {  	[smem:$0x3FA9] =	sst s2  }
0xb: {  	[smem:$0x3FAA] =	sst s3  }
0xc: {  	[smem:$0x3FAB] =	sst s4  }
0xd: {  	[smem:$0x3FAC] =	sst s5  }
0xe: {  	[smem:$0x3FAD] =	sst s6  }
0xf: {  	[smem:$0x3FAE] =	sst s7  }
0x10: {  	[smem:$0x3FAF] =	sst s8  }
0x11: {  	[smem:$0x3FB0] =	sst s9;
	s0 =	simm.s32 @!p0 $0x0  }
0x12: {  	s1 =	sld [smem:$0x3F96];
	s0 =	simm.s32 @p0 $0x1  }
0x13: {  	[smem:$0x3FB1] =	sst s0;
	s0 =	simm.s32 @!p1 $0x0  }
0x14: {  	s2 =	sld [smem:$0x3F95];
	s0 =	simm.s32 @p1 $0x1  }
0x15: {  	[smem:$0x3FB2] =	sst s0;
	s0 =	simm.s32 @!p2 $0x0  }
0x16: {  	s3 =	sld [smem:$0x3FDB];
	s0 =	simm.s32 @p2 $0x1  }
0x17: {  	s4 =	simm.s32 $0x1BF5;
	[smem:$0x3FB4] =	sst s0  }
0x18: {  	s0 =	sld [smem:$0x3F97];
	_ =	swait.ge [sflag:s4], $0x0  }
0x19: {  	s7 =	sld [smem:$0x3F98]  }
0x1a: {  	s8 =	sadd.s32 $0xFFFFE003, lr  }
0x1b: {  	s9 =	sadd.s32 $0xFFFFFEF7, lr;
	s5 =	simm.s32 $0xFFFFFFFF;
	p2 =	slt.u32 s8, $0xFFFFF086  }
0x1c: {  	p1 =	slt.u32 s9, $0xF7A;
	s5 =	simm.s32 @!p2 $0x0  }
0x1d: {  	s5 =	simm.s32 @p1 $0x1;
	p0 =	seq.s32 s7, s2  }
0x1e: {  	s7 =	smul.u32 @!p0 $0xF7A, s2;
	p2 =	seq.s32 @!p0 s5, $0x0  }
0x1f: {  	s9 =	smul.u32 $0xF7A, s1;
	s8 =	simm.s32 @!p0 $0x1BF5;
	p2 =	por !p2, p0  }
0x20: {  	[sflag:s8] =	ssyncset.s32 @!p0 $0xFFFFF086;
	s6 =	sadd.s32 @!p0 s3, s7;
	s7 =	simm.s32 @!p0 $0x108  }
0x21: {  	s3 =	sadd.s32 s3, s9;
	s6 =	sadd.s32 @!p0 $0x88, s6;
	s7 =	simm.s32 @p2 $0x1082  }
0x22: {  	[simem:s7], [sflag:s8] =	dma.local @!p0 [hbm:s6], $0xF7A  }
0x23: {  	s9 =	sor.u32 $0xD0000000, s2;
	s6 =	simm.s32 $0x108;
	_ =	swait.ge @!p0 [sflag:s8], $0x0  }
0x24: {  	s3 =	sadd.s32 $0x88, s3;
	s6 =	simm.s32 @!p1 $0x1082;
	[sflag:s4] =	ssyncset.s32 $0xFFFFF086  }
0x25: {  	[simem:s6], [sflag:s4] =	dma.local [hbm:s3], $0xF7A  }
0x26: {  	[smem:$0x3F98] =	sst s1;
	(tag) =	ssettag s2;
	_ =	strace s9  }
0x27: {  	s1 =	sld [smem:$0x3FA8]  }
0x28: {  	s2 =	sld [smem:$0x3FA9]  }
0x29: {  	s4 =	sld [smem:$0x3FAB]  }
0x2a: {  	p0 =	seq.s32 s5, $0x0;
	s5 =	sld [smem:$0x3FAC]  }
0x2b: {  	s6 =	sld [smem:$0x3FAD]  }
0x2c: {  	s7 =	sld [smem:$0x3FAE]  }
0x2d: {  	s3 =	simm.s32 $0x108;
	s8 =	sld [smem:$0x3FAF]  }
0x2e: {  	s3 =	simm.s32 @!p0 $0x1082;
	s9 =	sld [smem:$0x3FB0]  }
0x2f: {  	lr =	sadd.s32 s0, s3;
	s0 =	sld [smem:$0x3FA7]  }
0x30: {  	s3 =	sld [smem:$0x3FAA]  }
0x31: {  	[smem:$0x3FB3] =	sst s10  }
0x32: {  	s10 =	sld [smem:$0x3FB1];
	_ =	sdelay $0x3  }
0x33: {  	p0 =	seq.s32 s10, $0x1;
	s10 =	sld [smem:$0x3FB3];
	_ =	sdelay $0x3  }
0x34: {  	[smem:$0x3FB3] =	sst s10  }
0x35: {  	s10 =	sld [smem:$0x3FB2];
	_ =	sdelay $0x3  }
0x36: {  	p1 =	seq.s32 s10, $0x1;
	s10 =	sld [smem:$0x3FB3];
	_ =	sdelay $0x3  }
0x37: {  	[smem:$0x3FB3] =	sst s10  }
0x38: {  	s10 =	sld [smem:$0x3FB4]  }
0x39: {  	_ = 	snop;
	(pc) =	sbr.ind lr, $3  }
0x3a: {  	_ = 	snop  }
0x3b: {  	_ = 	snop  }
0x3c: {  	p2 =	seq.s32 s10, $0x1;
	s10 =	sld [smem:$0x3FB3]  }
0x3d: {  	_ =	shalt  }
0x3e: {  	_ =	shalt  }
0x3f: {  	_ =	shalt  }
0x40: {  	_ =	shalt  }
0x41: {  	_ =	shalt  }
0x42: {  	_ =	shalt  }
0x43: {  	_ =	shalt  }
0x44: {  	_ =	shalt  }
0x45: {  	_ =	shalt  }
0x46: {  	_ =	shalt  }
0x47: {  	_ =	shalt  }
0x48: {  	_ =	shalt  }
0x49: {  	_ =	shalt  }
0x4a: {  	_ =	shalt  }
0x4b: {  	_ =	shalt  }
0x4c: {  	_ =	shalt  }
0x4d: {  	_ =	shalt  }
0x4e: {  	_ =	shalt  }
0x4f: {  	_ =	shalt  }
0x50: {  	_ =	shalt  }
0x51: {  	_ =	shalt  }
0x52: {  	_ =	shalt  }
0x53: {  	_ =	shalt  }
0x54: {  	_ =	shalt  }
0x55: {  	_ =	shalt  }
0x56: {  	_ =	shalt  }
0x57: {  	_ =	shalt  }
0x58: {  	_ =	shalt  }
0x59: {  	_ =	shalt  }
0x5a: {  	_ =	shalt  }
0x5b: {  	_ =	shalt  }
0x5c: {  	_ =	shalt  }
0x5d: {  	_ =	shalt  }
0x5e: {  	_ =	shalt  }
0x5f: {  	_ =	shalt  }
0x60: {  	_ =	shalt  }
0x61: {  	_ =	shalt  }
0x62: {  	_ =	shalt  }
0x63: {  	_ =	shalt  }
0x64: {  	_ =	shalt  }
0x65: {  	_ =	shalt  }
0x66: {  	_ =	shalt  }
0x67: {  	_ =	shalt  }
0x68: {  	_ =	shalt  }
0x69: {  	_ =	shalt  }
0x6a: {  	_ =	shalt  }
0x6b: {  	_ =	shalt  }
0x6c: {  	_ =	shalt  }
0x6d: {  	_ =	shalt  }
0x6e: {  	_ =	shalt  }
0x6f: {  	_ =	shalt  }
0x70: {  	_ =	shalt  }
0x71: {  	_ =	shalt  }
0x72: {  	_ =	shalt  }
0x73: {  	_ =	shalt  }
0x74: {  	_ =	shalt  }
0x75: {  	_ =	shalt  }
0x76: {  	_ =	shalt  }
0x77: {  	_ =	shalt  }
0x78: {  	_ =	shalt  }
0x79: {  	_ =	shalt  }
0x7a: {  	_ =	shalt  }
0x7b: {  	_ =	shalt  }
0x7c: {  	_ =	shalt  }
0x7d: {  	_ =	shalt  }
0x7e: {  	_ =	shalt  }
0x7f: {  	_ =	shalt  }
0x80: {  	_ =	shalt  }
0x81: {  	_ =	shalt  }
0x82: {  	_ =	shalt  }
0x83: {  	_ =	shalt  }
0x84: {  	_ =	shalt  }
0x85: {  	_ =	shalt  }
0x86: {  	_ =	shalt  }
0x87: {  	_ =	shalt  }
.Lfunc_end0:
.L_simem_size_0:
called_computation_lowered:
.L_overlay_start_0:
0x88: {  	s2 =	sld [smem:$0x3FD9]  }
0x89: {  	s3 =	sld [smem:$0x3FFE];
	_ =	sdelay $0x1  }
0x8a: {  	s1 =	srdreg.scid  }
0x8b: {  	s0 =	sand.u32 $0x1, s1  }
0x8c: {  	s14 =	sshll.u32 s0, $0xA;
	s2 =	sadd.s32 s3, s2  }
0x8d: {  	s2 =	sadd.s32 s2, s14  }
0x8e: {  	[smem:$0x3FBF] =	sst s2  }
0x8f: {  	_ = 	snop  }
0x90: {  	s2 =	sld [smem:$0x3FD0];
	_ =	sdelay $0x2  }
0x91: {  	s4 =	simm.s32 $0xA;
	s5 =	simm.s32 $0x10;
	s15 =	sld [smem:$0x3FC9]  }
0x92: {  	[smem:s5], [sflag:s4] =	dma.local [hbm:s2], $0x1  }
0x93: {  	_ =	swait.eq [sflag:s4], $0x1  }
0x94: {  	[sflag:s4] =	ssyncset.done $0x0  }
0x95: {  	[sflag:s4] =	ssyncadd.s32 $0xFFFFFFFF  }
0x96: {  	s16 =	sld [smem:$0x11];
	(tm) =	ssettm $0x1  }
0x97: {  	s17 =	sld [smem:$0x3FFB];
	_ =	sdelay $0x3  }
0x98: {  	_ =	strace s17  }
0x99: {  	s4 =	sld [smem:$0x3FFC];
	_ =	sdelay $0x3  }
0x9a: {  	_ =	strace s4  }
0x9b: {  	s4 =	sld [smem:$0x3FFD];
	_ =	sdelay $0x3  }
0x9c: {  	_ =	strace s4  }
0x9d: {  	_ =	strace $0x8FFFFFFF  }
0x9e: {  	s18 =	sld [smem:$0x3FDB];
	_ =	sdelay $0x1  }
0x9f: {  	s19 =	simm.s32 $_scs_section_size  }
0xa0: {  	s6 =	simm.s32 $_size__tile_overlayer_lowered;
	s7 =	simm.s32 $_tile_overlayer_lowered  }
0xa1: {  	s22 =	simm.s32 $0x1BFF;
	s21 =	sshll.u32 s7, $0x1;
	s4 =	sadd.s32 s19, s18  }
0xa2: {  	s8 =	simm.s32 $0x0;
	s20 =	sshll.u32 s6, $0x1;
	s6 =	sadd.s32 s21, s4  }
0xa3: {  	[timem:s8], [sflag:s22] =	dma.local [hbm:s6], s20  }
0xa4: {  	_ =	swait.ge [sflag:s22], s20  }
0xa5: {  	s5 =	ssub.s32 $0x0, s20;
	[sflag:s22] =	ssyncset.done $0x0  }
0xa6: {  	[sflag:s22] =	ssyncadd.s32 s5;
	_ =	sdelay $0x1  }
0xa7: {  	s23 =	simm.s32 $0x1B8B  }
0xa8: {  	_ =	swait.ge [sflag:s23], $0x1  }
0xa9: {  	[sflag:s23] =	ssyncset.done $0x0  }
0xaa: {  	s25 =	simm.s32 $0x1B8E;
	s24 =	sld [smem:$0x3FFE];
	[sflag:s23] =	ssyncadd.s32 $0xFFFFFFFF  }
0xab: {  	s26 =	simm.s32 $execute0_lowered;
	[smem:$0x3FD2] =	sst s25  }
0xac: {  	s6 =	sshll.u32 s26, $0x1;
	_ =	strace $0x80000046;
	[dreg:$0x1] =	wrdreg $0xFFFFFFFF  }
0xad: {  	s28 =	simm.s32 $_size_execute0_lowered;
	s4 =	sadd.s32 s4, s6;
	[dreg:$0x0] =	wrdreg $0x0  }
0xae: {  	s6 =	sshll.u32 s28, $0x1;
	[dreg:$0x2] =	wrdreg s4  }
0xaf: {  	[dreg:$0x3] =	wrdreg s6  }
0xb0: {  	[dreg:$0x4] =	wrdreg $0xC0  }
0xb1: {  	_ =	task [dreg:s8], $0x5FFFF  }
0xb2: {  	[dreg:$0x1] =	wrdreg $0xFFFFFFFF  }
0xb3: {  	[dreg:$0x0] =	wrdreg $0x60  }
0xb4: {  	[dreg:$0x2] =	wrdreg s15  }
0xb5: {  	[dreg:$0x3] =	wrdreg s16  }
0xb6: {  	[dreg:$0x4] =	wrdreg s24  }
0xb7: {  	[dreg:$0x5] =	wrdreg $0x9  }
0xb8: {  	_ =	task.clear_ibuf [dreg:s8], $0x6FFFF;
	_ =	strace $0x90000046  }
0xb9: {  	s29 =	simm.s32 $0x9;
	_ =	strace $0x80000048  }
0xba: {  	_ =	swait.ge [sflag:s29], $0x1  }
0xbb: {  	[sflag:s29] =	ssyncadd.s32 $0xFFFFFFFF  }
0xbc: {  	_ =	strace $0x90000048  }
0xbd: {  	_ =	sfence  }
0xbe: {  	s30 =	sld [smem:$0x0];
	_ =	sdelay $0x2  }
0xbf: {  	s31 =	sshll.u32 s1, $0xD;
	s1 =	sshrl.u32 s1, $0x2  }
0xc0: {  	s3 =	sand.u32 $0x4000, s31;
	s1 =	sadd.s32 s1, s30  }
0xc1: {  	s0 =	sor.u32 s3, s0;
	s1 =	sshll.u32 s1, $0x11  }
0xc2: {  	s0 =	sor.u32 s1, s0  }
0xc3: {  	s0 =	sadd.s32 $0x8F2B, s0  }
0xc4: {  	[sflag:s0] =	ssyncadd.remote.s32 $0x1  }
0xc5: {  	_ =	sfence.sel $0xFFFF  }
0xc6: {  	[dreg:$0x0] =	wrdreg $0xFFFFFFFF;
	(pc) =	sbr.abs _section_cstart, $3  }
0xc7: {  	[dreg:$0x1] =	wrdreg $0xFFFFFFFF  }
0xc8: {  	_ =	task.clear_ibuf [dreg:s8], $0x2FFFF;
	_ =	strace $0x9FFFFFFF  }
0xc9: {  	(tm) =	ssettm $0x7FFFFFFF  }
tec
execute0_lowered:
.L_overlay_start_1:
0x0: {  	(tag) =	ssettag $0x1  }
0x1: {  	s1 =	rddreg [dreg:$0x0]  }
0x2: {  	s0 =	srdreg.scid;
	s2 =	rddreg [dreg:$0x1]  }
0x3: {  	s3 =	stileid.u32;
	s4 =	rddreg [dreg:$0x2]  }
0x4: {  	s30 =	simm.s32 $0x1;
	s0 =	sand.u32 $0x1, s0;
	s3 =	sshll.u32 s3, $0x1  }
0x5: {  	s31 =	simm.s32 $0x2;
	s4 =	sadd.s32 $0x1800, s4;
	s5 =	sor.u32 s0, s3  }
0x6: {  	s3 =	simm.s32 $0x0;
	s0 =	ssub.s32 $0x2, s0;
	s6 =	smul.u32 $0x600, s5  }
0x7: {  	[smem:$0x7FF] =	sst s3;
	s5 =	smul.u32 $0xC000, s5;
	s21 =	sshrl.u32 s0, $0x1  }
0x8: {  	_ =	strace $0x80000047;
	s0 =	ssub.s32 s0, s21;
	s7 =	sshrl.u32 s6, $0x3  }
0x9: {  	s8 =	sor.u32 $0xC0, s6;
	s5 =	sadd.s32 s4, s5;
	s24 =	sor.u32 $0x180, s6  }
0xa: {  	s26 =	sadd.s32 $0x240, s6;
	s12 =	sadd.s32 $0x300, s6;
	s15 =	sadd.s32 $0x3C0, s6  }
0xb: {  	s20 =	sadd.s32 $0x480, s6;
	s6 =	sadd.s32 $0x540, s6;
	s7 =	sadd.s32 s2, s7  }
0xc: {  	s9 =	sshrl.u32 s8, $0x3;
	[dreg:$0x6] =	wrdreg s5;
	s25 =	sshrl.u32 s24, $0x3  }
0xd: {  	s8 =	sshll.u32 s8, $0x5;
	[dreg:$0x4] =	wrdreg s7;
	s23 =	sadd.s32 s2, s9  }
0xe: {  	s29 =	sshrl.u32 s26, $0x3;
	s5 =	sadd.s32 s2, s25;
	[dreg:$0x5] =	wrdreg s23  }
0xf: {  	s13 =	sshrl.u32 s12, $0x3;
	s28 =	sadd.s32 s4, s8;
	[dreg:$0x7] =	wrdreg s5  }
0x10: {  	s14 =	sshll.u32 s26, $0x5;
	s10 =	sadd.s32 s2, s29;
	[dreg:$0x8] =	wrdreg s28  }
0x11: {  	s17 =	sshrl.u32 s15, $0x3;
	s16 =	sadd.s32 s4, s14;
	[dreg:$0x9] =	wrdreg s10  }
0x12: {  	s7 =	sshll.u32 s24, $0x5;
	s18 =	sadd.s32 s2, s17;
	[dreg:$0xc] =	wrdreg s16  }
0x13: {  	s22 =	sshrl.u32 s20, $0x3;
	s11 =	sadd.s32 s4, s7;
	[dreg:$0xd] =	wrdreg s18  }
0x14: {  	s9 =	sshll.u32 s15, $0x5;
	s5 =	sadd.s32 s2, s13;
	[dreg:$0xa] =	wrdreg s11  }
0x15: {  	s25 =	sshll.u32 s20, $0x5;
	s23 =	sadd.s32 s4, s9;
	[dreg:$0xb] =	wrdreg s5  }
0x16: {  	s7 =	sshll.u32 s12, $0x5;
	s26 =	sadd.s32 s4, s25;
	[dreg:$0x10] =	wrdreg s23  }
0x17: {  	s24 =	sshrl.u32 s6, $0x3;
	s19 =	sadd.s32 s4, s7;
	[dreg:$0x12] =	wrdreg s26  }
0x18: {  	s28 =	sshll.u32 s6, $0x5;
	s5 =	sadd.s32 s2, s22;
	[dreg:$0xe] =	wrdreg s19  }
0x19: {  	v2 =	vlaneseq.u32;
	s12 =	simm.s32 $0x200;
	s2 =	sadd.s32 s2, s24;
	[dreg:$0xf] =	wrdreg s5  }
0x1a: {  	vm0 =	vmmov $0xffff;
	v1 =	vshrl.u32 v2, $0x3;
	s29 =	sadd.s32 s4, s28;
	s4 =	smax.u32 s0, $0x1;
	[dreg:$0x11] =	wrdreg s2  }
0x1b: {  	v0 =	vand.u32 $0x7, v2;
	v2 =	vor.u32 $0x8, v2;
	v1 =	vmul.u32 $0x8, v1;
	[dreg:$0x13] =	wrdreg s29;
	s5 =	simm.s32 $0x3;
	s2 =	simm.s32 $0xC200  }
.LBB2_1:
0x1c: {  	s0 =	rddreg [dreg:$0x4]  }
0x1d: {  	[tilespmem:s3], [sflag:$0x3] =	stream.linear.gather [hbm4b:s0+s3], $0xC0, $0x38;
	[tilespmem:$0x18200] =	vst v63  }
0x1e: {  	_ =	swait.ge [sflag:s5], $0xC0  }
0x1f: {  	[sflag:s5] =	ssyncset.done $0x0  }
0x20: {  	[sflag:s5] =	ssyncadd.s32 $0xFFFFFF40  }
0x21: {  	v3 =	vld [tilespmem:$0x0];
	_ =	sdelay $0x4  }
0x22: {  	v4 =	vshll.u32 v3, $0x1  }
0x23: {  	v3 =	vand.u32 $0x7, v3;
	v4 =	vand.u32 $0xFFFFFFF0, v4  }
0x24: {  	v3 =	vor.u32 v3, v4  }
0x25: {  	v4 =	vperm.xlane v3, v0;
	_ =	sdelay $0x1  }
0x26: {  	v3 =	vperm.xlane v3, v2;
	v4 =	vadd.s32 v1, v4;
	_ =	sdelay $0x1  }
0x27: {  	v3 =	vadd.s32 v1, v3;
	_ =	sdelay $0x2  }
0x28: {  	[tilespmem:s12], [sflag:$0x1] =	stream.indirect_vreg.gather [hbm4b:s1+s3], $0x80, v4, vm0, $0xb8;
	[tilespmem:$0x18200] =	vst v63  }
0x29: {  	s7 =	simm.s32 $0xA00  }
0x2a: {  	[tilespmem:s7], [sflag:$0x1] =	stream.indirect_vreg.gather [hbm4b:s1+s3], $0x80, v3, vm0, $0xb8;
	[tilespmem:$0x18200] =	vst v63  }
0x2b: {  	v3 =	vld [tilespmem:$0x10];
	_ =	sdelay $0x4  }
0x2c: {  	v25 =	vshll.u32 v3, $0x1  }
0x2d: {  	v3 =	vand.u32 $0x7, v3;
	v4 =	vand.u32 $0xFFFFFFF0, v25  }
0x2e: {  	v3 =	vor.u32 v3, v4  }
0x2f: {  	v4 =	vperm.xlane v3, v0;
	_ =	sdelay $0x1  }
0x30: {  	v3 =	vperm.xlane v3, v2;
	v4 =	vadd.s32 v1, v4;
	_ =	sdelay $0x1  }
0x31: {  	v3 =	vadd.s32 v1, v3;
	_ =	sdelay $0x1  }
0x32: {  	s8 =	simm.s32 $0x1200  }
0x33: {  	[tilespmem:s8], [sflag:$0x1] =	stream.indirect_vreg.gather [hbm4b:s1+s3], $0x80, v4, vm0, $0xb8;
	[tilespmem:$0x18200] =	vst v63  }
0x34: {  	s9 =	simm.s32 $0x1A00  }
0x35: {  	[tilespmem:s9], [sflag:$0x1] =	stream.indirect_vreg.gather [hbm4b:s1+s3], $0x80, v3, vm0, $0xb8;
	[tilespmem:$0x18200] =	vst v63  }
0x36: {  	v3 =	vld [tilespmem:$0x20];
	_ =	sdelay $0x4  }
0x37: {  	v26 =	vshll.u32 v3, $0x1  }
0x38: {  	v3 =	vand.u32 $0x7, v3;
	v4 =	vand.u32 $0xFFFFFFF0, v26  }
0x39: {  	v3 =	vor.u32 v3, v4  }
0x3a: {  	v4 =	vperm.xlane v3, v0;
	_ =	sdelay $0x1  }
0x3b: {  	v3 =	vperm.xlane v3, v2;
	v4 =	vadd.s32 v1, v4;
	_ =	sdelay $0x1  }
0x3c: {  	v3 =	vadd.s32 v1, v3;
	_ =	sdelay $0x1  }
0x3d: {  	s10 =	simm.s32 $0x2200  }
0x3e: {  	[tilespmem:s10], [sflag:$0x1] =	stream.indirect_vreg.gather [hbm4b:s1+s3], $0x80, v4, vm0, $0xb8;
	[tilespmem:$0x18200] =	vst v63  }
0x3f: {  	s11 =	simm.s32 $0x2A00  }
0x40: {  	[tilespmem:s11], [sflag:$0x1] =	stream.indirect_vreg.gather [hbm4b:s1+s3], $0x80, v3, vm0, $0xb8;
	[tilespmem:$0x18200] =	vst v63  }
0x41: {  	v3 =	vld [tilespmem:$0x30];
	_ =	sdelay $0x4  }
0x42: {  	v27 =	vshll.u32 v3, $0x1  }
0x43: {  	v3 =	vand.u32 $0x7, v3;
	v4 =	vand.u32 $0xFFFFFFF0, v27  }
0x44: {  	v3 =	vor.u32 v3, v4  }
0x45: {  	v4 =	vperm.xlane v3, v0;
	_ =	sdelay $0x1  }
0x46: {  	v3 =	vperm.xlane v3, v2;
	v4 =	vadd.s32 v1, v4;
	_ =	sdelay $0x1  }
0x47: {  	v3 =	vadd.s32 v1, v3;
	_ =	sdelay $0x1  }
0x48: {  	s13 =	simm.s32 $0x3200  }
0x49: {  	[tilespmem:s13], [sflag:$0x1] =	stream.indirect_vreg.gather [hbm4b:s1+s3], $0x80, v4, vm0, $0xb8;
	[tilespmem:$0x18200] =	vst v63  }
0x4a: {  	s14 =	simm.s32 $0x3A00  }
0x4b: {  	[tilespmem:s14], [sflag:$0x1] =	stream.indirect_vreg.gather [hbm4b:s1+s3], $0x80, v3, vm0, $0xb8;
	[tilespmem:$0x18200] =	vst v63  }
0x4c: {  	v3 =	vld [tilespmem:$0x40];
	_ =	sdelay $0x4  }
0x4d: {  	v28 =	vshll.u32 v3, $0x1  }
0x4e: {  	v3 =	vand.u32 $0x7, v3;
	v4 =	vand.u32 $0xFFFFFFF0, v28  }
0x4f: {  	v3 =	vor.u32 v3, v4  }
0x50: {  	v4 =	vperm.xlane v3, v0;
	_ =	sdelay $0x1  }
0x51: {  	v3 =	vperm.xlane v3, v2;
	v4 =	vadd.s32 v1, v4;
	_ =	sdelay $0x1  }
0x52: {  	v3 =	vadd.s32 v1, v3;
	_ =	sdelay $0x1  }
0x53: {  	s15 =	simm.s32 $0x4200  }
0x54: {  	[tilespmem:s15], [sflag:$0x1] =	stream.indirect_vreg.gather [hbm4b:s1+s3], $0x80, v4, vm0, $0xb8;
	[tilespmem:$0x18200] =	vst v63  }
0x55: {  	s16 =	simm.s32 $0x4A00  }
0x56: {  	[tilespmem:s16], [sflag:$0x1] =	stream.indirect_vreg.gather [hbm4b:s1+s3], $0x80, v3, vm0, $0xb8;
	[tilespmem:$0x18200] =	vst v63  }
0x57: {  	v3 =	vld [tilespmem:$0x50];
	_ =	sdelay $0x4  }
0x58: {  	v29 =	vshll.u32 v3, $0x1  }
0x59: {  	v3 =	vand.u32 $0x7, v3;
	v4 =	vand.u32 $0xFFFFFFF0, v29  }
0x5a: {  	v3 =	vor.u32 v3, v4  }
0x5b: {  	v4 =	vperm.xlane v3, v0;
	_ =	sdelay $0x1  }
0x5c: {  	v3 =	vperm.xlane v3, v2;
	v4 =	vadd.s32 v1, v4;
	_ =	sdelay $0x1  }
0x5d: {  	v3 =	vadd.s32 v1, v3;
	_ =	sdelay $0x1  }
0x5e: {  	s17 =	simm.s32 $0x5200  }
0x5f: {  	[tilespmem:s17], [sflag:$0x1] =	stream.indirect_vreg.gather [hbm4b:s1+s3], $0x80, v4, vm0, $0xb8;
	[tilespmem:$0x18200] =	vst v63  }
0x60: {  	s18 =	simm.s32 $0x5A00  }
0x61: {  	[tilespmem:s18], [sflag:$0x1] =	stream.indirect_vreg.gather [hbm4b:s1+s3], $0x80, v3, vm0, $0xb8;
	[tilespmem:$0x18200] =	vst v63  }
0x62: {  	v3 =	vld [tilespmem:$0x60];
	_ =	sdelay $0x4  }
0x63: {  	v30 =	vshll.u32 v3, $0x1  }
0x64: {  	v3 =	vand.u32 $0x7, v3;
	v4 =	vand.u32 $0xFFFFFFF0, v30  }
0x65: {  	v3 =	vor.u32 v3, v4  }
0x66: {  	v4 =	vperm.xlane v3, v0;
	_ =	sdelay $0x1  }
0x67: {  	v3 =	vperm.xlane v3, v2;
	v4 =	vadd.s32 v1, v4;
	_ =	sdelay $0x1  }
0x68: {  	v3 =	vadd.s32 v1, v3;
	_ =	sdelay $0x1  }
0x69: {  	s19 =	simm.s32 $0x6200  }
0x6a: {  	[tilespmem:s19], [sflag:$0x1] =	stream.indirect_vreg.gather [hbm4b:s1+s3], $0x80, v4, vm0, $0xb8;
	[tilespmem:$0x18200] =	vst v63  }
0x6b: {  	s26 =	simm.s32 $0x6A00  }
0x6c: {  	[tilespmem:s26], [sflag:$0x1] =	stream.indirect_vreg.gather [hbm4b:s1+s3], $0x80, v3, vm0, $0xb8;
	[tilespmem:$0x18200] =	vst v63  }
0x6d: {  	v3 =	vld [tilespmem:$0x70];
	_ =	sdelay $0x4  }
0x6e: {  	v31 =	vshll.u32 v3, $0x1  }
0x6f: {  	v3 =	vand.u32 $0x7, v3;
	v4 =	vand.u32 $0xFFFFFFF0, v31  }
0x70: {  	v3 =	vor.u32 v3, v4  }
0x71: {  	v4 =	vperm.xlane v3, v0;
	_ =	sdelay $0x1  }
0x72: {  	v3 =	vperm.xlane v3, v2;
	v4 =	vadd.s32 v1, v4;
	_ =	sdelay $0x1  }
0x73: {  	v3 =	vadd.s32 v1, v3;
	_ =	sdelay $0x1  }
0x74: {  	s28 =	simm.s32 $0x7200  }
0x75: {  	[tilespmem:s28], [sflag:$0x1] =	stream.indirect_vreg.gather [hbm4b:s1+s3], $0x80, v4, vm0, $0xb8;
	[tilespmem:$0x18200] =	vst v63  }
0x76: {  	s29 =	simm.s32 $0x7A00  }
0x77: {  	[tilespmem:s29], [sflag:$0x1] =	stream.indirect_vreg.gather [hbm4b:s1+s3], $0x80, v3, vm0, $0xb8;
	[tilespmem:$0x18200] =	vst v63  }
0x78: {  	v3 =	vld [tilespmem:$0x80];
	_ =	sdelay $0x4  }
0x79: {  	v32 =	vshll.u32 v3, $0x1  }
0x7a: {  	v3 =	vand.u32 $0x7, v3;
	v4 =	vand.u32 $0xFFFFFFF0, v32  }
0x7b: {  	v3 =	vor.u32 v3, v4  }
0x7c: {  	v4 =	vperm.xlane v3, v0;
	_ =	sdelay $0x1  }
0x7d: {  	v3 =	vperm.xlane v3, v2;
	v4 =	vadd.s32 v1, v4;
	_ =	sdelay $0x1  }
0x7e: {  	v3 =	vadd.s32 v1, v3;
	_ =	sdelay $0x1  }
0x7f: {  	s6 =	simm.s32 $0x8200  }
0x80: {  	[tilespmem:s6], [sflag:$0x1] =	stream.indirect_vreg.gather [hbm4b:s1+s3], $0x80, v4, vm0, $0xb8;
	[tilespmem:$0x18200] =	vst v63  }
0x81: {  	s7 =	simm.s32 $0x8A00  }
0x82: {  	[tilespmem:s7], [sflag:$0x1] =	stream.indirect_vreg.gather [hbm4b:s1+s3], $0x80, v3, vm0, $0xb8;
	[tilespmem:$0x18200] =	vst v63  }
0x83: {  	v3 =	vld [tilespmem:$0x90];
	_ =	sdelay $0x4  }
0x84: {  	v33 =	vshll.u32 v3, $0x1  }
0x85: {  	v3 =	vand.u32 $0x7, v3;
	v4 =	vand.u32 $0xFFFFFFF0, v33  }
0x86: {  	v3 =	vor.u32 v3, v4  }
0x87: {  	v4 =	vperm.xlane v3, v0;
	_ =	sdelay $0x1  }
0x88: {  	v3 =	vperm.xlane v3, v2;
	v4 =	vadd.s32 v1, v4;
	_ =	sdelay $0x1  }
0x89: {  	v3 =	vadd.s32 v1, v3;
	_ =	sdelay $0x1  }
0x8a: {  	s8 =	simm.s32 $0x9200  }
0x8b: {  	[tilespmem:s8], [sflag:$0x1] =	stream.indirect_vreg.gather [hbm4b:s1+s3], $0x80, v4, vm0, $0xb8;
	[tilespmem:$0x18200] =	vst v63  }
0x8c: {  	s9 =	simm.s32 $0x9A00  }
0x8d: {  	[tilespmem:s9], [sflag:$0x1] =	stream.indirect_vreg.gather [hbm4b:s1+s3], $0x80, v3, vm0, $0xb8;
	[tilespmem:$0x18200] =	vst v63  }
0x8e: {  	v3 =	vld [tilespmem:$0xA0];
	_ =	sdelay $0x4  }
0x8f: {  	v34 =	vshll.u32 v3, $0x1  }
0x90: {  	v3 =	vand.u32 $0x7, v3;
	v4 =	vand.u32 $0xFFFFFFF0, v34  }
0x91: {  	v3 =	vor.u32 v3, v4  }
0x92: {  	v4 =	vperm.xlane v3, v0;
	_ =	sdelay $0x1  }
0x93: {  	v3 =	vperm.xlane v3, v2;
	v4 =	vadd.s32 v1, v4;
	_ =	sdelay $0x1  }
0x94: {  	v3 =	vadd.s32 v1, v3;
	_ =	sdelay $0x1  }
0x95: {  	s10 =	simm.s32 $0xA200  }
0x96: {  	[tilespmem:s10], [sflag:$0x1] =	stream.indirect_vreg.gather [hbm4b:s1+s3], $0x80, v4, vm0, $0xb8;
	[tilespmem:$0x18200] =	vst v63  }
0x97: {  	s11 =	simm.s32 $0xAA00  }
0x98: {  	[tilespmem:s11], [sflag:$0x1] =	stream.indirect_vreg.gather [hbm4b:s1+s3], $0x80, v3, vm0, $0xb8;
	[tilespmem:$0x18200] =	vst v63  }
0x99: {  	v3 =	vld [tilespmem:$0xB0];
	_ =	sdelay $0x4  }
0x9a: {  	v35 =	vshll.u32 v3, $0x1  }
0x9b: {  	v3 =	vand.u32 $0x7, v3;
	v4 =	vand.u32 $0xFFFFFFF0, v35  }
0x9c: {  	v3 =	vor.u32 v3, v4  }
0x9d: {  	v4 =	vperm.xlane v3, v0;
	_ =	sdelay $0x1  }
0x9e: {  	v3 =	vperm.xlane v3, v2;
	v4 =	vadd.s32 v1, v4;
	_ =	sdelay $0x1  }
0x9f: {  	v3 =	vadd.s32 v1, v3;
	_ =	sdelay $0x1  }
0xa0: {  	s13 =	simm.s32 $0xB200  }
0xa1: {  	[tilespmem:s13], [sflag:$0x1] =	stream.indirect_vreg.gather [hbm4b:s1+s3], $0x80, v4, vm0, $0xb8;
	[tilespmem:$0x18200] =	vst v63  }
0xa2: {  	s6 =	simm.s32 $0xBA00  }
0xa3: {  	[tilespmem:s6], [sflag:$0x1] =	stream.indirect_vreg.gather [hbm4b:s1+s3], $0x80, v3, vm0, $0xb8;
	[tilespmem:$0x18200] =	vst v63  }
0xa4: {  	s14 =	rddreg [dreg:$0x5];
	s8 =	simm.s32 $0x100  }
0xa5: {  	[tilespmem:s8], [sflag:$0x3] =	stream.linear.gather [hbm4b:s14+s3], $0xC0, $0x38;
	[tilespmem:$0x18200] =	vst v63  }
0xa6: {  	_ =	swait.ge [sflag:s5], $0xC0  }
0xa7: {  	[sflag:s5] =	ssyncset.done $0x0  }
0xa8: {  	[sflag:s5] =	ssyncadd.s32 $0xFFFFFF40  }
0xa9: {  	v3 =	vld [tilespmem:$0x100];
	_ =	sdelay $0x4  }
0xaa: {  	v36 =	vshll.u32 v3, $0x1  }
0xab: {  	v3 =	vand.u32 $0x7, v3;
	v4 =	vand.u32 $0xFFFFFFF0, v36  }
0xac: {  	v3 =	vor.u32 v3, v4  }
0xad: {  	v4 =	vperm.xlane v3, v0;
	_ =	sdelay $0x1  }
0xae: {  	v3 =	vperm.xlane v3, v2;
	v4 =	vadd.s32 v1, v4;
	_ =	sdelay $0x1  }
0xaf: {  	v3 =	vadd.s32 v1, v3;
	_ =	sdelay $0x2  }
0xb0: {  	[tilespmem:s2], [sflag:$0x2] =	stream.indirect_vreg.gather [hbm4b:s1+s3], $0x80, v4, vm0, $0xb8;
	[tilespmem:$0x18200] =	vst v63  }
0xb1: {  	s15 =	simm.s32 $0xCA00  }
0xb2: {  	[tilespmem:s15], [sflag:$0x2] =	stream.indirect_vreg.gather [hbm4b:s1+s3], $0x80, v3, vm0, $0xb8;
	[tilespmem:$0x18200] =	vst v63  }
0xb3: {  	v3 =	vld [tilespmem:$0x110];
	_ =	sdelay $0x4  }
0xb4: {  	v37 =	vshll.u32 v3, $0x1  }
0xb5: {  	v3 =	vand.u32 $0x7, v3;
	v4 =	vand.u32 $0xFFFFFFF0, v37  }
0xb6: {  	v3 =	vor.u32 v3, v4  }
0xb7: {  	v4 =	vperm.xlane v3, v0;
	_ =	sdelay $0x1  }
0xb8: {  	v3 =	vperm.xlane v3, v2;
	v4 =	vadd.s32 v1, v4;
	_ =	sdelay $0x1  }
0xb9: {  	v3 =	vadd.s32 v1, v3;
	_ =	sdelay $0x1  }
0xba: {  	s16 =	simm.s32 $0xD200  }
0xbb: {  	[tilespmem:s16], [sflag:$0x2] =	stream.indirect_vreg.gather [hbm4b:s1+s3], $0x80, v4, vm0, $0xb8;
	[tilespmem:$0x18200] =	vst v63  }
0xbc: {  	s17 =	simm.s32 $0xDA00  }
0xbd: {  	[tilespmem:s17], [sflag:$0x2] =	stream.indirect_vreg.gather [hbm4b:s1+s3], $0x80, v3, vm0, $0xb8;
	[tilespmem:$0x18200] =	vst v63  }
0xbe: {  	v3 =	vld [tilespmem:$0x120];
	_ =	sdelay $0x4  }
0xbf: {  	v38 =	vshll.u32 v3, $0x1  }
0xc0: {  	v3 =	vand.u32 $0x7, v3;
	v4 =	vand.u32 $0xFFFFFFF0, v38  }
0xc1: {  	v3 =	vor.u32 v3, v4  }
0xc2: {  	v4 =	vperm.xlane v3, v0;
	_ =	sdelay $0x1  }
0xc3: {  	v3 =	vperm.xlane v3, v2;
	v4 =	vadd.s32 v1, v4;
	_ =	sdelay $0x1  }
0xc4: {  	v3 =	vadd.s32 v1, v3;
	_ =	sdelay $0x1  }
0xc5: {  	s18 =	simm.s32 $0xE200  }
0xc6: {  	[tilespmem:s18], [sflag:$0x2] =	stream.indirect_vreg.gather [hbm4b:s1+s3], $0x80, v4, vm0, $0xb8;
	[tilespmem:$0x18200] =	vst v63  }
0xc7: {  	s6 =	simm.s32 $0xEA00  }
0xc8: {  	[tilespmem:s6], [sflag:$0x2] =	stream.indirect_vreg.gather [hbm4b:s1+s3], $0x80, v3, vm0, $0xb8;
	[tilespmem:$0x18200] =	vst v63  }
0xc9: {  	v3 =	vld [tilespmem:$0x130];
	_ =	sdelay $0x4  }
0xca: {  	v39 =	vshll.u32 v3, $0x1  }
0xcb: {  	v3 =	vand.u32 $0x7, v3;
	v4 =	vand.u32 $0xFFFFFFF0, v39  }
0xcc: {  	v3 =	vor.u32 v3, v4  }
0xcd: {  	v4 =	vperm.xlane v3, v0;
	_ =	sdelay $0x1  }
0xce: {  	v3 =	vperm.xlane v3, v2;
	v4 =	vadd.s32 v1, v4;
	_ =	sdelay $0x1  }
0xcf: {  	v3 =	vadd.s32 v1, v3;
	_ =	sdelay $0x1  }
0xd0: {  	s7 =	simm.s32 $0xF200  }
0xd1: {  	[tilespmem:s7], [sflag:$0x2] =	stream.indirect_vreg.gather [hbm4b:s1+s3], $0x80, v4, vm0, $0xb8;
	[tilespmem:$0x18200] =	vst v63  }
0xd2: {  	s8 =	simm.s32 $0xFA00  }
0xd3: {  	[tilespmem:s8], [sflag:$0x2] =	stream.indirect_vreg.gather [hbm4b:s1+s3], $0x80, v3, vm0, $0xb8;
	[tilespmem:$0x18200] =	vst v63  }
0xd4: {  	v3 =	vld [tilespmem:$0x140];
	_ =	sdelay $0x4  }
0xd5: {  	v40 =	vshll.u32 v3, $0x1  }
0xd6: {  	v3 =	vand.u32 $0x7, v3;
	v4 =	vand.u32 $0xFFFFFFF0, v40  }
0xd7: {  	v3 =	vor.u32 v3, v4  }
0xd8: {  	v4 =	vperm.xlane v3, v0;
	_ =	sdelay $0x1  }
0xd9: {  	v3 =	vperm.xlane v3, v2;
	v4 =	vadd.s32 v1, v4;
	_ =	sdelay $0x1  }
0xda: {  	v3 =	vadd.s32 v1, v3;
	_ =	sdelay $0x1  }
0xdb: {  	s9 =	simm.s32 $0x10200  }
0xdc: {  	[tilespmem:s9], [sflag:$0x2] =	stream.indirect_vreg.gather [hbm4b:s1+s3], $0x80, v4, vm0, $0xb8;
	[tilespmem:$0x18200] =	vst v63  }
0xdd: {  	s10 =	simm.s32 $0x10A00  }
0xde: {  	[tilespmem:s10], [sflag:$0x2] =	stream.indirect_vreg.gather [hbm4b:s1+s3], $0x80, v3, vm0, $0xb8;
	[tilespmem:$0x18200] =	vst v63  }
0xdf: {  	v3 =	vld [tilespmem:$0x150];
	_ =	sdelay $0x4  }
0xe0: {  	v41 =	vshll.u32 v3, $0x1  }
0xe1: {  	v3 =	vand.u32 $0x7, v3;
	v4 =	vand.u32 $0xFFFFFFF0, v41  }
0xe2: {  	v3 =	vor.u32 v3, v4  }
0xe3: {  	v4 =	vperm.xlane v3, v0;
	_ =	sdelay $0x1  }
0xe4: {  	v3 =	vperm.xlane v3, v2;
	v4 =	vadd.s32 v1, v4;
	_ =	sdelay $0x1  }
0xe5: {  	v3 =	vadd.s32 v1, v3;
	_ =	sdelay $0x1  }
0xe6: {  	s11 =	simm.s32 $0x11200  }
0xe7: {  	[tilespmem:s11], [sflag:$0x2] =	stream.indirect_vreg.gather [hbm4b:s1+s3], $0x80, v4, vm0, $0xb8;
	[tilespmem:$0x18200] =	vst v63  }
0xe8: {  	s13 =	simm.s32 $0x11A00  }
0xe9: {  	[tilespmem:s13], [sflag:$0x2] =	stream.indirect_vreg.gather [hbm4b:s1+s3], $0x80, v3, vm0, $0xb8;
	[tilespmem:$0x18200] =	vst v63  }
0xea: {  	v3 =	vld [tilespmem:$0x160];
	_ =	sdelay $0x4  }
0xeb: {  	v42 =	vshll.u32 v3, $0x1  }
0xec: {  	v3 =	vand.u32 $0x7, v3;
	v4 =	vand.u32 $0xFFFFFFF0, v42  }
0xed: {  	v3 =	vor.u32 v3, v4  }
0xee: {  	v4 =	vperm.xlane v3, v0;
	_ =	sdelay $0x1  }
0xef: {  	v3 =	vperm.xlane v3, v2;
	v4 =	vadd.s32 v1, v4;
	_ =	sdelay $0x1  }
0xf0: {  	v3 =	vadd.s32 v1, v3;
	_ =	sdelay $0x1  }
0xf1: {  	s14 =	simm.s32 $0x12200  }
0xf2: {  	[tilespmem:s14], [sflag:$0x2] =	stream.indirect_vreg.gather [hbm4b:s1+s3], $0x80, v4, vm0, $0xb8;
	[tilespmem:$0x18200] =	vst v63  }
0xf3: {  	s15 =	simm.s32 $0x12A00  }
0xf4: {  	[tilespmem:s15], [sflag:$0x2] =	stream.indirect_vreg.gather [hbm4b:s1+s3], $0x80, v3, vm0, $0xb8;
	[tilespmem:$0x18200] =	vst v63  }
0xf5: {  	v3 =	vld [tilespmem:$0x170];
	_ =	sdelay $0x4  }
0xf6: {  	v43 =	vshll.u32 v3, $0x1  }
0xf7: {  	v3 =	vand.u32 $0x7, v3;
	v4 =	vand.u32 $0xFFFFFFF0, v43  }
0xf8: {  	v3 =	vor.u32 v3, v4  }
0xf9: {  	v4 =	vperm.xlane v3, v0;
	_ =	sdelay $0x1  }
0xfa: {  	v3 =	vperm.xlane v3, v2;
	v4 =	vadd.s32 v1, v4;
	_ =	sdelay $0x1  }
0xfb: {  	v3 =	vadd.s32 v1, v3;
	_ =	sdelay $0x1  }
0xfc: {  	s16 =	simm.s32 $0x13200  }
0xfd: {  	[tilespmem:s16], [sflag:$0x2] =	stream.indirect_vreg.gather [hbm4b:s1+s3], $0x80, v4, vm0, $0xb8;
	[tilespmem:$0x18200] =	vst v63  }
0xfe: {  	s17 =	simm.s32 $0x13A00  }
0xff: {  	[tilespmem:s17], [sflag:$0x2] =	stream.indirect_vreg.gather [hbm4b:s1+s3], $0x80, v3, vm0, $0xb8;
	[tilespmem:$0x18200] =	vst v63  }
0x100: {  	v3 =	vld [tilespmem:$0x180];
	_ =	sdelay $0x4  }
0x101: {  	v44 =	vshll.u32 v3, $0x1  }
0x102: {  	v3 =	vand.u32 $0x7, v3;
	v4 =	vand.u32 $0xFFFFFFF0, v44  }
0x103: {  	v3 =	vor.u32 v3, v4  }
0x104: {  	v4 =	vperm.xlane v3, v0;
	_ =	sdelay $0x1  }
0x105: {  	v3 =	vperm.xlane v3, v2;
	v4 =	vadd.s32 v1, v4;
	_ =	sdelay $0x1  }
0x106: {  	v3 =	vadd.s32 v1, v3;
	_ =	sdelay $0x1  }
0x107: {  	s18 =	simm.s32 $0x14200  }
0x108: {  	[tilespmem:s18], [sflag:$0x2] =	stream.indirect_vreg.gather [hbm4b:s1+s3], $0x80, v4, vm0, $0xb8;
	[tilespmem:$0x18200] =	vst v63  }
0x109: {  	s6 =	simm.s32 $0x14A00  }
0x10a: {  	[tilespmem:s6], [sflag:$0x2] =	stream.indirect_vreg.gather [hbm4b:s1+s3], $0x80, v3, vm0, $0xb8;
	[tilespmem:$0x18200] =	vst v63  }
0x10b: {  	v3 =	vld [tilespmem:$0x190];
	_ =	sdelay $0x4  }
0x10c: {  	v45 =	vshll.u32 v3, $0x1  }
0x10d: {  	v3 =	vand.u32 $0x7, v3;
	v4 =	vand.u32 $0xFFFFFFF0, v45  }
0x10e: {  	v3 =	vor.u32 v3, v4  }
0x10f: {  	v4 =	vperm.xlane v3, v0;
	_ =	sdelay $0x1  }
0x110: {  	v3 =	vperm.xlane v3, v2;
	v4 =	vadd.s32 v1, v4;
	_ =	sdelay $0x1  }
0x111: {  	v3 =	vadd.s32 v1, v3;
	_ =	sdelay $0x1  }
0x112: {  	s7 =	simm.s32 $0x15200  }
0x113: {  	[tilespmem:s7], [sflag:$0x2] =	stream.indirect_vreg.gather [hbm4b:s1+s3], $0x80, v4, vm0, $0xb8;
	[tilespmem:$0x18200] =	vst v63  }
0x114: {  	s8 =	simm.s32 $0x15A00  }
0x115: {  	[tilespmem:s8], [sflag:$0x2] =	stream.indirect_vreg.gather [hbm4b:s1+s3], $0x80, v3, vm0, $0xb8;
	[tilespmem:$0x18200] =	vst v63  }
0x116: {  	v3 =	vld [tilespmem:$0x1A0];
	_ =	sdelay $0x4  }
0x117: {  	v46 =	vshll.u32 v3, $0x1  }
0x118: {  	v3 =	vand.u32 $0x7, v3;
	v4 =	vand.u32 $0xFFFFFFF0, v46  }
0x119: {  	v3 =	vor.u32 v3, v4  }
0x11a: {  	v4 =	vperm.xlane v3, v0;
	_ =	sdelay $0x1  }
0x11b: {  	v3 =	vperm.xlane v3, v2;
	v4 =	vadd.s32 v1, v4;
	_ =	sdelay $0x1  }
0x11c: {  	v3 =	vadd.s32 v1, v3;
	_ =	sdelay $0x1  }
0x11d: {  	s9 =	simm.s32 $0x16200  }
0x11e: {  	[tilespmem:s9], [sflag:$0x2] =	stream.indirect_vreg.gather [hbm4b:s1+s3], $0x80, v4, vm0, $0xb8;
	[tilespmem:$0x18200] =	vst v63  }
0x11f: {  	s10 =	simm.s32 $0x16A00  }
0x120: {  	[tilespmem:s10], [sflag:$0x2] =	stream.indirect_vreg.gather [hbm4b:s1+s3], $0x80, v3, vm0, $0xb8;
	[tilespmem:$0x18200] =	vst v63  }
0x121: {  	v3 =	vld [tilespmem:$0x1B0];
	_ =	sdelay $0x4  }
0x122: {  	v47 =	vshll.u32 v3, $0x1  }
0x123: {  	v3 =	vand.u32 $0x7, v3;
	v4 =	vand.u32 $0xFFFFFFF0, v47  }
0x124: {  	v3 =	vor.u32 v3, v4  }
0x125: {  	v4 =	vperm.xlane v3, v0;
	_ =	sdelay $0x1  }
0x126: {  	v3 =	vperm.xlane v3, v2;
	v4 =	vadd.s32 v1, v4;
	_ =	sdelay $0x1  }
0x127: {  	v3 =	vadd.s32 v1, v3;
	_ =	sdelay $0x1  }
0x128: {  	s11 =	simm.s32 $0x17200  }
0x129: {  	[tilespmem:s11], [sflag:$0x2] =	stream.indirect_vreg.gather [hbm4b:s1+s3], $0x80, v4, vm0, $0xb8;
	[tilespmem:$0x18200] =	vst v63  }
0x12a: {  	s18 =	simm.s32 $0x17A00  }
0x12b: {  	[tilespmem:s18], [sflag:$0x2] =	stream.indirect_vreg.gather [hbm4b:s1+s3], $0x80, v3, vm0, $0xb8;
	[tilespmem:$0x18200] =	vst v63  }
0x12c: {  	_ =	swait.ge [sflag:s30], $0xC000  }
0x12d: {  	[sflag:s30] =	ssyncset.done $0x0  }
0x12e: {  	s6 =	rddreg [dreg:$0x6];
	[sflag:s30] =	ssyncadd.s32 $0xFFFF4000  }
0x12f: {  	[hbm4b:s6+s3] =	stream.linear.scatter [tilespmem:s12], [sflag:$0x3], $0xC000, $0x38;
	[tilespmem:$0x18200] =	vst v63  }
0x130: {  	_ =	swait.ge [sflag:s5], $0xC000  }
0x131: {  	[sflag:s5] =	ssyncset.done $0x0  }
0x132: {  	s7 =	rddreg [dreg:$0x7];
	[sflag:s5] =	ssyncadd.s32 $0xFFFF4000  }
0x133: {  	[tilespmem:s3], [sflag:$0x3] =	stream.linear.gather [hbm4b:s7+s3], $0xC0, $0x38;
	[tilespmem:$0x18200] =	vst v63  }
0x134: {  	_ =	swait.ge [sflag:s5], $0xC0  }
0x135: {  	[sflag:s5] =	ssyncset.done $0x0  }
0x136: {  	[sflag:s5] =	ssyncadd.s32 $0xFFFFFF40  }
0x137: {  	v3 =	vld [tilespmem:$0x0];
	_ =	sdelay $0x4  }
0x138: {  	v48 =	vshll.u32 v3, $0x1  }
0x139: {  	v3 =	vand.u32 $0x7, v3;
	v4 =	vand.u32 $0xFFFFFFF0, v48  }
0x13a: {  	v3 =	vor.u32 v3, v4  }
0x13b: {  	v4 =	vperm.xlane v3, v0;
	_ =	sdelay $0x1  }
0x13c: {  	v3 =	vperm.xlane v3, v2;
	v4 =	vadd.s32 v1, v4;
	_ =	sdelay $0x1  }
0x13d: {  	v3 =	vadd.s32 v1, v3;
	_ =	sdelay $0x2  }
0x13e: {  	[tilespmem:s12], [sflag:$0x1] =	stream.indirect_vreg.gather [hbm4b:s1+s3], $0x80, v4, vm0, $0xb8;
	[tilespmem:$0x18200] =	vst v63  }
0x13f: {  	s20 =	simm.s32 $0xA00  }
0x140: {  	[tilespmem:s20], [sflag:$0x1] =	stream.indirect_vreg.gather [hbm4b:s1+s3], $0x80, v3, vm0, $0xb8;
	[tilespmem:$0x18200] =	vst v63  }
0x141: {  	v3 =	vld [tilespmem:$0x10];
	_ =	sdelay $0x4  }
0x142: {  	v49 =	vshll.u32 v3, $0x1  }
0x143: {  	v3 =	vand.u32 $0x7, v3;
	v4 =	vand.u32 $0xFFFFFFF0, v49  }
0x144: {  	v3 =	vor.u32 v3, v4  }
0x145: {  	v4 =	vperm.xlane v3, v0;
	_ =	sdelay $0x1  }
0x146: {  	v3 =	vperm.xlane v3, v2;
	v4 =	vadd.s32 v1, v4;
	_ =	sdelay $0x1  }
0x147: {  	v3 =	vadd.s32 v1, v3;
	_ =	sdelay $0x1  }
0x148: {  	s6 =	simm.s32 $0x1200  }
0x149: {  	[tilespmem:s6], [sflag:$0x1] =	stream.indirect_vreg.gather [hbm4b:s1+s3], $0x80, v4, vm0, $0xb8;
	[tilespmem:$0x18200] =	vst v63  }
0x14a: {  	s21 =	simm.s32 $0x1A00  }
0x14b: {  	[tilespmem:s21], [sflag:$0x1] =	stream.indirect_vreg.gather [hbm4b:s1+s3], $0x80, v3, vm0, $0xb8;
	[tilespmem:$0x18200] =	vst v63  }
0x14c: {  	v3 =	vld [tilespmem:$0x20];
	_ =	sdelay $0x4  }
0x14d: {  	v50 =	vshll.u32 v3, $0x1  }
0x14e: {  	v3 =	vand.u32 $0x7, v3;
	v4 =	vand.u32 $0xFFFFFFF0, v50  }
0x14f: {  	v3 =	vor.u32 v3, v4  }
0x150: {  	v4 =	vperm.xlane v3, v0;
	_ =	sdelay $0x1  }
0x151: {  	v3 =	vperm.xlane v3, v2;
	v4 =	vadd.s32 v1, v4;
	_ =	sdelay $0x1  }
0x152: {  	v3 =	vadd.s32 v1, v3;
	_ =	sdelay $0x1  }
0x153: {  	s20 =	simm.s32 $0x2200  }
0x154: {  	[tilespmem:s20], [sflag:$0x1] =	stream.indirect_vreg.gather [hbm4b:s1+s3], $0x80, v4, vm0, $0xb8;
	[tilespmem:$0x18200] =	vst v63  }
0x155: {  	s22 =	simm.s32 $0x2A00  }
0x156: {  	[tilespmem:s22], [sflag:$0x1] =	stream.indirect_vreg.gather [hbm4b:s1+s3], $0x80, v3, vm0, $0xb8;
	[tilespmem:$0x18200] =	vst v63  }
0x157: {  	v3 =	vld [tilespmem:$0x30];
	_ =	sdelay $0x4  }
0x158: {  	v51 =	vshll.u32 v3, $0x1  }
0x159: {  	v3 =	vand.u32 $0x7, v3;
	v4 =	vand.u32 $0xFFFFFFF0, v51  }
0x15a: {  	v3 =	vor.u32 v3, v4  }
0x15b: {  	v4 =	vperm.xlane v3, v0;
	_ =	sdelay $0x1  }
0x15c: {  	v3 =	vperm.xlane v3, v2;
	v4 =	vadd.s32 v1, v4;
	_ =	sdelay $0x1  }
0x15d: {  	v3 =	vadd.s32 v1, v3;
	_ =	sdelay $0x1  }
0x15e: {  	s21 =	simm.s32 $0x3200  }
0x15f: {  	[tilespmem:s21], [sflag:$0x1] =	stream.indirect_vreg.gather [hbm4b:s1+s3], $0x80, v4, vm0, $0xb8;
	[tilespmem:$0x18200] =	vst v63  }
0x160: {  	s23 =	simm.s32 $0x3A00  }
0x161: {  	[tilespmem:s23], [sflag:$0x1] =	stream.indirect_vreg.gather [hbm4b:s1+s3], $0x80, v3, vm0, $0xb8;
	[tilespmem:$0x18200] =	vst v63  }
0x162: {  	v3 =	vld [tilespmem:$0x40];
	_ =	sdelay $0x4  }
0x163: {  	v52 =	vshll.u32 v3, $0x1  }
0x164: {  	v3 =	vand.u32 $0x7, v3;
	v4 =	vand.u32 $0xFFFFFFF0, v52  }
0x165: {  	v3 =	vor.u32 v3, v4  }
0x166: {  	v4 =	vperm.xlane v3, v0;
	_ =	sdelay $0x1  }
0x167: {  	v3 =	vperm.xlane v3, v2;
	v4 =	vadd.s32 v1, v4;
	_ =	sdelay $0x1  }
0x168: {  	v3 =	vadd.s32 v1, v3;
	_ =	sdelay $0x1  }
0x169: {  	s22 =	simm.s32 $0x4200  }
0x16a: {  	[tilespmem:s22], [sflag:$0x1] =	stream.indirect_vreg.gather [hbm4b:s1+s3], $0x80, v4, vm0, $0xb8;
	[tilespmem:$0x18200] =	vst v63  }
0x16b: {  	s24 =	simm.s32 $0x4A00  }
0x16c: {  	[tilespmem:s24], [sflag:$0x1] =	stream.indirect_vreg.gather [hbm4b:s1+s3], $0x80, v3, vm0, $0xb8;
	[tilespmem:$0x18200] =	vst v63  }
0x16d: {  	v3 =	vld [tilespmem:$0x50];
	_ =	sdelay $0x4  }
0x16e: {  	v53 =	vshll.u32 v3, $0x1  }
0x16f: {  	v3 =	vand.u32 $0x7, v3;
	v4 =	vand.u32 $0xFFFFFFF0, v53  }
0x170: {  	v3 =	vor.u32 v3, v4  }
0x171: {  	v4 =	vperm.xlane v3, v0;
	_ =	sdelay $0x1  }
0x172: {  	v3 =	vperm.xlane v3, v2;
	v4 =	vadd.s32 v1, v4;
	_ =	sdelay $0x1  }
0x173: {  	v3 =	vadd.s32 v1, v3;
	_ =	sdelay $0x1  }
0x174: {  	s23 =	simm.s32 $0x5200  }
0x175: {  	[tilespmem:s23], [sflag:$0x1] =	stream.indirect_vreg.gather [hbm4b:s1+s3], $0x80, v4, vm0, $0xb8;
	[tilespmem:$0x18200] =	vst v63  }
0x176: {  	s25 =	simm.s32 $0x5A00  }
0x177: {  	[tilespmem:s25], [sflag:$0x1] =	stream.indirect_vreg.gather [hbm4b:s1+s3], $0x80, v3, vm0, $0xb8;
	[tilespmem:$0x18200] =	vst v63  }
0x178: {  	v3 =	vld [tilespmem:$0x60];
	_ =	sdelay $0x4  }
0x179: {  	v54 =	vshll.u32 v3, $0x1  }
0x17a: {  	v3 =	vand.u32 $0x7, v3;
	v4 =	vand.u32 $0xFFFFFFF0, v54  }
0x17b: {  	v3 =	vor.u32 v3, v4  }
0x17c: {  	v4 =	vperm.xlane v3, v0;
	_ =	sdelay $0x1  }
0x17d: {  	v3 =	vperm.xlane v3, v2;
	v4 =	vadd.s32 v1, v4;
	_ =	sdelay $0x1  }
0x17e: {  	v3 =	vadd.s32 v1, v3;
	_ =	sdelay $0x1  }
0x17f: {  	s24 =	simm.s32 $0x6200  }
0x180: {  	[tilespmem:s24], [sflag:$0x1] =	stream.indirect_vreg.gather [hbm4b:s1+s3], $0x80, v4, vm0, $0xb8;
	[tilespmem:$0x18200] =	vst v63  }
0x181: {  	s26 =	simm.s32 $0x6A00  }
0x182: {  	[tilespmem:s26], [sflag:$0x1] =	stream.indirect_vreg.gather [hbm4b:s1+s3], $0x80, v3, vm0, $0xb8;
	[tilespmem:$0x18200] =	vst v63  }
0x183: {  	v3 =	vld [tilespmem:$0x70];
	_ =	sdelay $0x4  }
0x184: {  	v55 =	vshll.u32 v3, $0x1  }
0x185: {  	v3 =	vand.u32 $0x7, v3;
	v4 =	vand.u32 $0xFFFFFFF0, v55  }
0x186: {  	v3 =	vor.u32 v3, v4  }
0x187: {  	v4 =	vperm.xlane v3, v0;
	_ =	sdelay $0x1  }
0x188: {  	v3 =	vperm.xlane v3, v2;
	v4 =	vadd.s32 v1, v4;
	_ =	sdelay $0x1  }
0x189: {  	v3 =	vadd.s32 v1, v3;
	_ =	sdelay $0x1  }
0x18a: {  	s25 =	simm.s32 $0x7200  }
0x18b: {  	[tilespmem:s25], [sflag:$0x1] =	stream.indirect_vreg.gather [hbm4b:s1+s3], $0x80, v4, vm0, $0xb8;
	[tilespmem:$0x18200] =	vst v63  }
0x18c: {  	s28 =	simm.s32 $0x7A00  }
0x18d: {  	[tilespmem:s28], [sflag:$0x1] =	stream.indirect_vreg.gather [hbm4b:s1+s3], $0x80, v3, vm0, $0xb8;
	[tilespmem:$0x18200] =	vst v63  }
0x18e: {  	v3 =	vld [tilespmem:$0x80];
	_ =	sdelay $0x4  }
0x18f: {  	v56 =	vshll.u32 v3, $0x1  }
0x190: {  	v3 =	vand.u32 $0x7, v3;
	v4 =	vand.u32 $0xFFFFFFF0, v56  }
0x191: {  	v3 =	vor.u32 v3, v4  }
0x192: {  	v4 =	vperm.xlane v3, v0;
	_ =	sdelay $0x1  }
0x193: {  	v3 =	vperm.xlane v3, v2;
	v4 =	vadd.s32 v1, v4;
	_ =	sdelay $0x1  }
0x194: {  	v3 =	vadd.s32 v1, v3;
	_ =	sdelay $0x1  }
0x195: {  	s26 =	simm.s32 $0x8200  }
0x196: {  	[tilespmem:s26], [sflag:$0x1] =	stream.indirect_vreg.gather [hbm4b:s1+s3], $0x80, v4, vm0, $0xb8;
	[tilespmem:$0x18200] =	vst v63  }
0x197: {  	s29 =	simm.s32 $0x8A00  }
0x198: {  	[tilespmem:s29], [sflag:$0x1] =	stream.indirect_vreg.gather [hbm4b:s1+s3], $0x80, v3, vm0, $0xb8;
	[tilespmem:$0x18200] =	vst v63  }
0x199: {  	v3 =	vld [tilespmem:$0x90];
	_ =	sdelay $0x4  }
0x19a: {  	v57 =	vshll.u32 v3, $0x1  }
0x19b: {  	v3 =	vand.u32 $0x7, v3;
	v4 =	vand.u32 $0xFFFFFFF0, v57  }
0x19c: {  	v3 =	vor.u32 v3, v4  }
0x19d: {  	v4 =	vperm.xlane v3, v0;
	_ =	sdelay $0x1  }
0x19e: {  	v3 =	vperm.xlane v3, v2;
	v4 =	vadd.s32 v1, v4;
	_ =	sdelay $0x1  }
0x19f: {  	v3 =	vadd.s32 v1, v3;
	_ =	sdelay $0x1  }
0x1a0: {  	s28 =	simm.s32 $0x9200  }
0x1a1: {  	[tilespmem:s28], [sflag:$0x1] =	stream.indirect_vreg.gather [hbm4b:s1+s3], $0x80, v4, vm0, $0xb8;
	[tilespmem:$0x18200] =	vst v63  }
0x1a2: {  	s7 =	simm.s32 $0x9A00  }
0x1a3: {  	[tilespmem:s7], [sflag:$0x1] =	stream.indirect_vreg.gather [hbm4b:s1+s3], $0x80, v3, vm0, $0xb8;
	[tilespmem:$0x18200] =	vst v63  }
0x1a4: {  	v3 =	vld [tilespmem:$0xA0];
	_ =	sdelay $0x4  }
0x1a5: {  	v58 =	vshll.u32 v3, $0x1  }
0x1a6: {  	v3 =	vand.u32 $0x7, v3;
	v4 =	vand.u32 $0xFFFFFFF0, v58  }
0x1a7: {  	v3 =	vor.u32 v3, v4  }
0x1a8: {  	v4 =	vperm.xlane v3, v0;
	_ =	sdelay $0x1  }
0x1a9: {  	v3 =	vperm.xlane v3, v2;
	v4 =	vadd.s32 v1, v4;
	_ =	sdelay $0x1  }
0x1aa: {  	v3 =	vadd.s32 v1, v3;
	_ =	sdelay $0x1  }
0x1ab: {  	s29 =	simm.s32 $0xA200  }
0x1ac: {  	[tilespmem:s29], [sflag:$0x1] =	stream.indirect_vreg.gather [hbm4b:s1+s3], $0x80, v4, vm0, $0xb8;
	[tilespmem:$0x18200] =	vst v63  }
0x1ad: {  	s9 =	simm.s32 $0xAA00  }
0x1ae: {  	[tilespmem:s9], [sflag:$0x1] =	stream.indirect_vreg.gather [hbm4b:s1+s3], $0x80, v3, vm0, $0xb8;
	[tilespmem:$0x18200] =	vst v63  }
0x1af: {  	v3 =	vld [tilespmem:$0xB0];
	_ =	sdelay $0x4  }
0x1b0: {  	v59 =	vshll.u32 v3, $0x1  }
0x1b1: {  	v3 =	vand.u32 $0x7, v3;
	v4 =	vand.u32 $0xFFFFFFF0, v59  }
0x1b2: {  	v3 =	vor.u32 v3, v4  }
0x1b3: {  	v4 =	vperm.xlane v3, v0;
	_ =	sdelay $0x1  }
0x1b4: {  	v3 =	vperm.xlane v3, v2;
	v4 =	vadd.s32 v1, v4;
	_ =	sdelay $0x1  }
0x1b5: {  	v3 =	vadd.s32 v1, v3;
	_ =	sdelay $0x1  }
0x1b6: {  	s10 =	simm.s32 $0xB200  }
0x1b7: {  	[tilespmem:s10], [sflag:$0x1] =	stream.indirect_vreg.gather [hbm4b:s1+s3], $0x80, v4, vm0, $0xb8;
	[tilespmem:$0x18200] =	vst v63  }
0x1b8: {  	s11 =	simm.s32 $0xBA00  }
0x1b9: {  	[tilespmem:s11], [sflag:$0x1] =	stream.indirect_vreg.gather [hbm4b:s1+s3], $0x80, v3, vm0, $0xb8;
	[tilespmem:$0x18200] =	vst v63  }
0x1ba: {  	_ =	swait.ge [sflag:s31], $0xC000  }
0x1bb: {  	[sflag:s31] =	ssyncset.done $0x0  }
0x1bc: {  	s8 =	rddreg [dreg:$0x8];
	[sflag:s31] =	ssyncadd.s32 $0xFFFF4000  }
0x1bd: {  	[hbm4b:s8+s3] =	stream.linear.scatter [tilespmem:s2], [sflag:$0x3], $0xC000, $0x38;
	[tilespmem:$0x18200] =	vst v63  }
0x1be: {  	_ =	swait.ge [sflag:s5], $0xC000  }
0x1bf: {  	[sflag:s5] =	ssyncset.done $0x0  }
0x1c0: {  	s8 =	simm.s32 $0x100;
	s0 =	rddreg [dreg:$0x9];
	[sflag:s5] =	ssyncadd.s32 $0xFFFF4000  }
0x1c1: {  	[tilespmem:s8], [sflag:$0x3] =	stream.linear.gather [hbm4b:s0+s3], $0xC0, $0x38;
	[tilespmem:$0x18200] =	vst v63  }
0x1c2: {  	_ =	swait.ge [sflag:s5], $0xC0  }
0x1c3: {  	[sflag:s5] =	ssyncset.done $0x0  }
0x1c4: {  	[sflag:s5] =	ssyncadd.s32 $0xFFFFFF40  }
0x1c5: {  	v3 =	vld [tilespmem:$0x100];
	_ =	sdelay $0x4  }
0x1c6: {  	v60 =	vshll.u32 v3, $0x1  }
0x1c7: {  	v3 =	vand.u32 $0x7, v3;
	v4 =	vand.u32 $0xFFFFFFF0, v60  }
0x1c8: {  	v3 =	vor.u32 v3, v4  }
0x1c9: {  	v4 =	vperm.xlane v3, v0;
	_ =	sdelay $0x1  }
0x1ca: {  	v3 =	vperm.xlane v3, v2;
	v4 =	vadd.s32 v1, v4;
	_ =	sdelay $0x1  }
0x1cb: {  	v3 =	vadd.s32 v1, v3;
	_ =	sdelay $0x2  }
0x1cc: {  	[tilespmem:s2], [sflag:$0x2] =	stream.indirect_vreg.gather [hbm4b:s1+s3], $0x80, v4, vm0, $0xb8;
	[tilespmem:$0x18200] =	vst v63  }
0x1cd: {  	s19 =	simm.s32 $0xCA00  }
0x1ce: {  	[tilespmem:s19], [sflag:$0x2] =	stream.indirect_vreg.gather [hbm4b:s1+s3], $0x80, v3, vm0, $0xb8;
	[tilespmem:$0x18200] =	vst v63  }
0x1cf: {  	v3 =	vld [tilespmem:$0x110];
	_ =	sdelay $0x4  }
0x1d0: {  	v61 =	vshll.u32 v3, $0x1  }
0x1d1: {  	v3 =	vand.u32 $0x7, v3;
	v4 =	vand.u32 $0xFFFFFFF0, v61  }
0x1d2: {  	v3 =	vor.u32 v3, v4  }
0x1d3: {  	v4 =	vperm.xlane v3, v0;
	_ =	sdelay $0x1  }
0x1d4: {  	v3 =	vperm.xlane v3, v2;
	v4 =	vadd.s32 v1, v4;
	_ =	sdelay $0x1  }
0x1d5: {  	v3 =	vadd.s32 v1, v3;
	_ =	sdelay $0x1  }
0x1d6: {  	s19 =	simm.s32 $0xD200  }
0x1d7: {  	[tilespmem:s19], [sflag:$0x2] =	stream.indirect_vreg.gather [hbm4b:s1+s3], $0x80, v4, vm0, $0xb8;
	[tilespmem:$0x18200] =	vst v63  }
0x1d8: {  	s8 =	simm.s32 $0xDA00  }
0x1d9: {  	[tilespmem:s8], [sflag:$0x2] =	stream.indirect_vreg.gather [hbm4b:s1+s3], $0x80, v3, vm0, $0xb8;
	[tilespmem:$0x18200] =	vst v63  }
0x1da: {  	v3 =	vld [tilespmem:$0x120];
	_ =	sdelay $0x4  }
0x1db: {  	v62 =	vshll.u32 v3, $0x1  }
0x1dc: {  	v3 =	vand.u32 $0x7, v3;
	v4 =	vand.u32 $0xFFFFFFF0, v62  }
0x1dd: {  	v3 =	vor.u32 v3, v4  }
0x1de: {  	v4 =	vperm.xlane v3, v0;
	_ =	sdelay $0x1  }
0x1df: {  	v3 =	vperm.xlane v3, v2;
	v4 =	vadd.s32 v1, v4;
	_ =	sdelay $0x1  }
0x1e0: {  	v3 =	vadd.s32 v1, v3;
	_ =	sdelay $0x1  }
0x1e1: {  	s8 =	simm.s32 $0xE200  }
0x1e2: {  	[tilespmem:s8], [sflag:$0x2] =	stream.indirect_vreg.gather [hbm4b:s1+s3], $0x80, v4, vm0, $0xb8;
	[tilespmem:$0x18200] =	vst v63  }
0x1e3: {  	s0 =	simm.s32 $0xEA00  }
0x1e4: {  	[tilespmem:s0], [sflag:$0x2] =	stream.indirect_vreg.gather [hbm4b:s1+s3], $0x80, v3, vm0, $0xb8;
	[tilespmem:$0x18200] =	vst v63  }
0x1e5: {  	v3 =	vld [tilespmem:$0x130];
	_ =	sdelay $0x4  }
0x1e6: {  	v63 =	vshll.u32 v3, $0x1  }
0x1e7: {  	v3 =	vand.u32 $0x7, v3;
	v4 =	vand.u32 $0xFFFFFFF0, v63  }
0x1e8: {  	v3 =	vor.u32 v3, v4  }
0x1e9: {  	v4 =	vperm.xlane v3, v0;
	_ =	sdelay $0x1  }
0x1ea: {  	v3 =	vperm.xlane v3, v2;
	v4 =	vadd.s32 v1, v4;
	_ =	sdelay $0x1  }
0x1eb: {  	v3 =	vadd.s32 v1, v3;
	_ =	sdelay $0x1  }
0x1ec: {  	s0 =	simm.s32 $0xF200  }
0x1ed: {  	[tilespmem:s0], [sflag:$0x2] =	stream.indirect_vreg.gather [hbm4b:s1+s3], $0x80, v4, vm0, $0xb8;
	[tilespmem:$0x18200] =	vst v63  }
0x1ee: {  	s0 =	simm.s32 $0xFA00  }
0x1ef: {  	[tilespmem:s0], [sflag:$0x2] =	stream.indirect_vreg.gather [hbm4b:s1+s3], $0x80, v3, vm0, $0xb8;
	[tilespmem:$0x18200] =	vst v63  }
0x1f0: {  	v3 =	vld [tilespmem:$0x140];
	_ =	sdelay $0x4  }
0x1f1: {  	v8 =	vshll.u32 v3, $0x1  }
0x1f2: {  	v3 =	vand.u32 $0x7, v3;
	v4 =	vand.u32 $0xFFFFFFF0, v8  }
0x1f3: {  	v3 =	vor.u32 v3, v4  }
0x1f4: {  	v4 =	vperm.xlane v3, v0;
	_ =	sdelay $0x1  }
0x1f5: {  	v3 =	vperm.xlane v3, v2;
	v4 =	vadd.s32 v1, v4;
	_ =	sdelay $0x1  }
0x1f6: {  	v3 =	vadd.s32 v1, v3;
	_ =	sdelay $0x1  }
0x1f7: {  	s0 =	simm.s32 $0x10200  }
0x1f8: {  	[tilespmem:s0], [sflag:$0x2] =	stream.indirect_vreg.gather [hbm4b:s1+s3], $0x80, v4, vm0, $0xb8;
	[tilespmem:$0x18200] =	vst v63  }
0x1f9: {  	s0 =	simm.s32 $0x10A00  }
0x1fa: {  	[tilespmem:s0], [sflag:$0x2] =	stream.indirect_vreg.gather [hbm4b:s1+s3], $0x80, v3, vm0, $0xb8;
	[tilespmem:$0x18200] =	vst v63  }
0x1fb: {  	v3 =	vld [tilespmem:$0x150];
	_ =	sdelay $0x4  }
0x1fc: {  	v9 =	vshll.u32 v3, $0x1  }
0x1fd: {  	v3 =	vand.u32 $0x7, v3;
	v4 =	vand.u32 $0xFFFFFFF0, v9  }
0x1fe: {  	v3 =	vor.u32 v3, v4  }
0x1ff: {  	v4 =	vperm.xlane v3, v0;
	_ =	sdelay $0x1  }
0x200: {  	v3 =	vperm.xlane v3, v2;
	v4 =	vadd.s32 v1, v4;
	_ =	sdelay $0x1  }
0x201: {  	v3 =	vadd.s32 v1, v3;
	_ =	sdelay $0x1  }
0x202: {  	s0 =	simm.s32 $0x11200  }
0x203: {  	[tilespmem:s0], [sflag:$0x2] =	stream.indirect_vreg.gather [hbm4b:s1+s3], $0x80, v4, vm0, $0xb8;
	[tilespmem:$0x18200] =	vst v63  }
0x204: {  	s0 =	simm.s32 $0x11A00  }
0x205: {  	[tilespmem:s0], [sflag:$0x2] =	stream.indirect_vreg.gather [hbm4b:s1+s3], $0x80, v3, vm0, $0xb8;
	[tilespmem:$0x18200] =	vst v63  }
0x206: {  	v3 =	vld [tilespmem:$0x160];
	_ =	sdelay $0x4  }
0x207: {  	v10 =	vshll.u32 v3, $0x1  }
0x208: {  	v3 =	vand.u32 $0x7, v3;
	v4 =	vand.u32 $0xFFFFFFF0, v10  }
0x209: {  	v3 =	vor.u32 v3, v4  }
0x20a: {  	v4 =	vperm.xlane v3, v0;
	_ =	sdelay $0x1  }
0x20b: {  	v3 =	vperm.xlane v3, v2;
	v4 =	vadd.s32 v1, v4;
	_ =	sdelay $0x1  }
0x20c: {  	v3 =	vadd.s32 v1, v3;
	_ =	sdelay $0x1  }
0x20d: {  	s0 =	simm.s32 $0x12200  }
0x20e: {  	[tilespmem:s0], [sflag:$0x2] =	stream.indirect_vreg.gather [hbm4b:s1+s3], $0x80, v4, vm0, $0xb8;
	[tilespmem:$0x18200] =	vst v63  }
0x20f: {  	s13 =	simm.s32 $0x12A00  }
0x210: {  	[tilespmem:s13], [sflag:$0x2] =	stream.indirect_vreg.gather [hbm4b:s1+s3], $0x80, v3, vm0, $0xb8;
	[tilespmem:$0x18200] =	vst v63  }
0x211: {  	v3 =	vld [tilespmem:$0x170];
	_ =	sdelay $0x4  }
0x212: {  	v11 =	vshll.u32 v3, $0x1  }
0x213: {  	v3 =	vand.u32 $0x7, v3;
	v4 =	vand.u32 $0xFFFFFFF0, v11  }
0x214: {  	v3 =	vor.u32 v3, v4  }
0x215: {  	v4 =	vperm.xlane v3, v0;
	_ =	sdelay $0x1  }
0x216: {  	v3 =	vperm.xlane v3, v2;
	v4 =	vadd.s32 v1, v4;
	_ =	sdelay $0x1  }
0x217: {  	v3 =	vadd.s32 v1, v3;
	_ =	sdelay $0x1  }
0x218: {  	s13 =	simm.s32 $0x13200  }
0x219: {  	[tilespmem:s13], [sflag:$0x2] =	stream.indirect_vreg.gather [hbm4b:s1+s3], $0x80, v4, vm0, $0xb8;
	[tilespmem:$0x18200] =	vst v63  }
0x21a: {  	s14 =	simm.s32 $0x13A00  }
0x21b: {  	[tilespmem:s14], [sflag:$0x2] =	stream.indirect_vreg.gather [hbm4b:s1+s3], $0x80, v3, vm0, $0xb8;
	[tilespmem:$0x18200] =	vst v63  }
0x21c: {  	v3 =	vld [tilespmem:$0x180];
	_ =	sdelay $0x4  }
0x21d: {  	v12 =	vshll.u32 v3, $0x1  }
0x21e: {  	v3 =	vand.u32 $0x7, v3;
	v4 =	vand.u32 $0xFFFFFFF0, v12  }
0x21f: {  	v3 =	vor.u32 v3, v4  }
0x220: {  	v4 =	vperm.xlane v3, v0;
	_ =	sdelay $0x1  }
0x221: {  	v3 =	vperm.xlane v3, v2;
	v4 =	vadd.s32 v1, v4;
	_ =	sdelay $0x1  }
0x222: {  	v3 =	vadd.s32 v1, v3;
	_ =	sdelay $0x1  }
0x223: {  	s14 =	simm.s32 $0x14200  }
0x224: {  	[tilespmem:s14], [sflag:$0x2] =	stream.indirect_vreg.gather [hbm4b:s1+s3], $0x80, v4, vm0, $0xb8;
	[tilespmem:$0x18200] =	vst v63  }
0x225: {  	s15 =	simm.s32 $0x14A00  }
0x226: {  	[tilespmem:s15], [sflag:$0x2] =	stream.indirect_vreg.gather [hbm4b:s1+s3], $0x80, v3, vm0, $0xb8;
	[tilespmem:$0x18200] =	vst v63  }
0x227: {  	v3 =	vld [tilespmem:$0x190];
	_ =	sdelay $0x4  }
0x228: {  	v13 =	vshll.u32 v3, $0x1  }
0x229: {  	v3 =	vand.u32 $0x7, v3;
	v4 =	vand.u32 $0xFFFFFFF0, v13  }
0x22a: {  	v3 =	vor.u32 v3, v4  }
0x22b: {  	v4 =	vperm.xlane v3, v0;
	_ =	sdelay $0x1  }
0x22c: {  	v3 =	vperm.xlane v3, v2;
	v4 =	vadd.s32 v1, v4;
	_ =	sdelay $0x1  }
0x22d: {  	v3 =	vadd.s32 v1, v3;
	_ =	sdelay $0x1  }
0x22e: {  	s15 =	simm.s32 $0x15200  }
0x22f: {  	[tilespmem:s15], [sflag:$0x2] =	stream.indirect_vreg.gather [hbm4b:s1+s3], $0x80, v4, vm0, $0xb8;
	[tilespmem:$0x18200] =	vst v63  }
0x230: {  	s16 =	simm.s32 $0x15A00  }
0x231: {  	[tilespmem:s16], [sflag:$0x2] =	stream.indirect_vreg.gather [hbm4b:s1+s3], $0x80, v3, vm0, $0xb8;
	[tilespmem:$0x18200] =	vst v63  }
0x232: {  	v3 =	vld [tilespmem:$0x1A0];
	_ =	sdelay $0x4  }
0x233: {  	v14 =	vshll.u32 v3, $0x1  }
0x234: {  	v3 =	vand.u32 $0x7, v3;
	v4 =	vand.u32 $0xFFFFFFF0, v14  }
0x235: {  	v3 =	vor.u32 v3, v4  }
0x236: {  	v4 =	vperm.xlane v3, v0;
	_ =	sdelay $0x1  }
0x237: {  	v3 =	vperm.xlane v3, v2;
	v4 =	vadd.s32 v1, v4;
	_ =	sdelay $0x1  }
0x238: {  	v3 =	vadd.s32 v1, v3;
	_ =	sdelay $0x1  }
0x239: {  	s13 =	simm.s32 $0x16200  }
0x23a: {  	[tilespmem:s13], [sflag:$0x2] =	stream.indirect_vreg.gather [hbm4b:s1+s3], $0x80, v4, vm0, $0xb8;
	[tilespmem:$0x18200] =	vst v63  }
0x23b: {  	s17 =	simm.s32 $0x16A00  }
0x23c: {  	[tilespmem:s17], [sflag:$0x2] =	stream.indirect_vreg.gather [hbm4b:s1+s3], $0x80, v3, vm0, $0xb8;
	[tilespmem:$0x18200] =	vst v63  }
0x23d: {  	v3 =	vld [tilespmem:$0x1B0];
	_ =	sdelay $0x4  }
0x23e: {  	v15 =	vshll.u32 v3, $0x1  }
0x23f: {  	v3 =	vand.u32 $0x7, v3;
	v4 =	vand.u32 $0xFFFFFFF0, v15  }
0x240: {  	v3 =	vor.u32 v3, v4  }
0x241: {  	v4 =	vperm.xlane v3, v0;
	_ =	sdelay $0x1  }
0x242: {  	v3 =	vperm.xlane v3, v2;
	v4 =	vadd.s32 v1, v4;
	_ =	sdelay $0x1  }
0x243: {  	v3 =	vadd.s32 v1, v3;
	_ =	sdelay $0x1  }
0x244: {  	s14 =	simm.s32 $0x17200  }
0x245: {  	[tilespmem:s14], [sflag:$0x2] =	stream.indirect_vreg.gather [hbm4b:s1+s3], $0x80, v4, vm0, $0xb8;
	[tilespmem:$0x18200] =	vst v63  }
0x246: {  	s18 =	simm.s32 $0x17A00  }
0x247: {  	[tilespmem:s18], [sflag:$0x2] =	stream.indirect_vreg.gather [hbm4b:s1+s3], $0x80, v3, vm0, $0xb8;
	[tilespmem:$0x18200] =	vst v63  }
0x248: {  	_ =	swait.ge [sflag:s30], $0xC000  }
0x249: {  	[sflag:s30] =	ssyncset.done $0x0  }
0x24a: {  	s15 =	rddreg [dreg:$0xa];
	[sflag:s30] =	ssyncadd.s32 $0xFFFF4000  }
0x24b: {  	[hbm4b:s15+s3] =	stream.linear.scatter [tilespmem:s12], [sflag:$0x3], $0xC000, $0x38;
	[tilespmem:$0x18200] =	vst v63  }
0x24c: {  	_ =	swait.ge [sflag:s5], $0xC000  }
0x24d: {  	[sflag:s5] =	ssyncset.done $0x0  }
0x24e: {  	s16 =	rddreg [dreg:$0xb];
	[sflag:s5] =	ssyncadd.s32 $0xFFFF4000  }
0x24f: {  	[tilespmem:s3], [sflag:$0x3] =	stream.linear.gather [hbm4b:s16+s3], $0xC0, $0x38;
	[tilespmem:$0x18200] =	vst v63  }
0x250: {  	_ =	swait.ge [sflag:s5], $0xC0  }
0x251: {  	[sflag:s5] =	ssyncset.done $0x0  }
0x252: {  	[sflag:s5] =	ssyncadd.s32 $0xFFFFFF40  }
0x253: {  	v3 =	vld [tilespmem:$0x0];
	_ =	sdelay $0x4  }
0x254: {  	v16 =	vshll.u32 v3, $0x1  }
0x255: {  	v3 =	vand.u32 $0x7, v3;
	v4 =	vand.u32 $0xFFFFFFF0, v16  }
0x256: {  	v3 =	vor.u32 v3, v4  }
0x257: {  	v4 =	vperm.xlane v3, v0;
	_ =	sdelay $0x1  }
0x258: {  	v3 =	vperm.xlane v3, v2;
	v4 =	vadd.s32 v1, v4;
	_ =	sdelay $0x1  }
0x259: {  	v3 =	vadd.s32 v1, v3;
	_ =	sdelay $0x2  }
0x25a: {  	[tilespmem:s12], [sflag:$0x1] =	stream.indirect_vreg.gather [hbm4b:s1+s3], $0x80, v4, vm0, $0xb8;
	[tilespmem:$0x18200] =	vst v63  }
0x25b: {  	s17 =	simm.s32 $0xA00  }
0x25c: {  	[tilespmem:s17], [sflag:$0x1] =	stream.indirect_vreg.gather [hbm4b:s1+s3], $0x80, v3, vm0, $0xb8;
	[tilespmem:$0x18200] =	vst v63  }
0x25d: {  	v3 =	vld [tilespmem:$0x10];
	_ =	sdelay $0x4  }
0x25e: {  	v17 =	vshll.u32 v3, $0x1  }
0x25f: {  	v3 =	vand.u32 $0x7, v3;
	v4 =	vand.u32 $0xFFFFFFF0, v17  }
0x260: {  	v3 =	vor.u32 v3, v4  }
0x261: {  	v4 =	vperm.xlane v3, v0;
	_ =	sdelay $0x1  }
0x262: {  	v3 =	vperm.xlane v3, v2;
	v4 =	vadd.s32 v1, v4;
	_ =	sdelay $0x1  }
0x263: {  	v3 =	vadd.s32 v1, v3;
	_ =	sdelay $0x2  }
0x264: {  	[tilespmem:s6], [sflag:$0x1] =	stream.indirect_vreg.gather [hbm4b:s1+s3], $0x80, v4, vm0, $0xb8;
	[tilespmem:$0x18200] =	vst v63  }
0x265: {  	s18 =	simm.s32 $0x1A00  }
0x266: {  	[tilespmem:s18], [sflag:$0x1] =	stream.indirect_vreg.gather [hbm4b:s1+s3], $0x80, v3, vm0, $0xb8;
	[tilespmem:$0x18200] =	vst v63  }
0x267: {  	v3 =	vld [tilespmem:$0x20];
	_ =	sdelay $0x4  }
0x268: {  	v18 =	vshll.u32 v3, $0x1  }
0x269: {  	v3 =	vand.u32 $0x7, v3;
	v4 =	vand.u32 $0xFFFFFFF0, v18  }
0x26a: {  	v3 =	vor.u32 v3, v4  }
0x26b: {  	v4 =	vperm.xlane v3, v0;
	_ =	sdelay $0x1  }
0x26c: {  	v3 =	vperm.xlane v3, v2;
	v4 =	vadd.s32 v1, v4;
	_ =	sdelay $0x1  }
0x26d: {  	v3 =	vadd.s32 v1, v3;
	_ =	sdelay $0x2  }
0x26e: {  	[tilespmem:s20], [sflag:$0x1] =	stream.indirect_vreg.gather [hbm4b:s1+s3], $0x80, v4, vm0, $0xb8;
	[tilespmem:$0x18200] =	vst v63  }
0x26f: {  	s20 =	simm.s32 $0x2A00  }
0x270: {  	[tilespmem:s20], [sflag:$0x1] =	stream.indirect_vreg.gather [hbm4b:s1+s3], $0x80, v3, vm0, $0xb8;
	[tilespmem:$0x18200] =	vst v63  }
0x271: {  	v3 =	vld [tilespmem:$0x30];
	_ =	sdelay $0x4  }
0x272: {  	v19 =	vshll.u32 v3, $0x1  }
0x273: {  	v3 =	vand.u32 $0x7, v3;
	v4 =	vand.u32 $0xFFFFFFF0, v19  }
0x274: {  	v3 =	vor.u32 v3, v4  }
0x275: {  	v4 =	vperm.xlane v3, v0;
	_ =	sdelay $0x1  }
0x276: {  	v3 =	vperm.xlane v3, v2;
	v4 =	vadd.s32 v1, v4;
	_ =	sdelay $0x1  }
0x277: {  	v3 =	vadd.s32 v1, v3;
	_ =	sdelay $0x2  }
0x278: {  	[tilespmem:s21], [sflag:$0x1] =	stream.indirect_vreg.gather [hbm4b:s1+s3], $0x80, v4, vm0, $0xb8;
	[tilespmem:$0x18200] =	vst v63  }
0x279: {  	s21 =	simm.s32 $0x3A00  }
0x27a: {  	[tilespmem:s21], [sflag:$0x1] =	stream.indirect_vreg.gather [hbm4b:s1+s3], $0x80, v3, vm0, $0xb8;
	[tilespmem:$0x18200] =	vst v63  }
0x27b: {  	v3 =	vld [tilespmem:$0x40];
	_ =	sdelay $0x4  }
0x27c: {  	v20 =	vshll.u32 v3, $0x1  }
0x27d: {  	v3 =	vand.u32 $0x7, v3;
	v4 =	vand.u32 $0xFFFFFFF0, v20  }
0x27e: {  	v3 =	vor.u32 v3, v4  }
0x27f: {  	v4 =	vperm.xlane v3, v0;
	_ =	sdelay $0x1  }
0x280: {  	v3 =	vperm.xlane v3, v2;
	v4 =	vadd.s32 v1, v4;
	_ =	sdelay $0x1  }
0x281: {  	v3 =	vadd.s32 v1, v3;
	_ =	sdelay $0x2  }
0x282: {  	[tilespmem:s22], [sflag:$0x1] =	stream.indirect_vreg.gather [hbm4b:s1+s3], $0x80, v4, vm0, $0xb8;
	[tilespmem:$0x18200] =	vst v63  }
0x283: {  	s22 =	simm.s32 $0x4A00  }
0x284: {  	[tilespmem:s22], [sflag:$0x1] =	stream.indirect_vreg.gather [hbm4b:s1+s3], $0x80, v3, vm0, $0xb8;
	[tilespmem:$0x18200] =	vst v63  }
0x285: {  	v3 =	vld [tilespmem:$0x50];
	_ =	sdelay $0x4  }
0x286: {  	v21 =	vshll.u32 v3, $0x1  }
0x287: {  	v3 =	vand.u32 $0x7, v3;
	v4 =	vand.u32 $0xFFFFFFF0, v21  }
0x288: {  	v3 =	vor.u32 v3, v4  }
0x289: {  	v4 =	vperm.xlane v3, v0;
	_ =	sdelay $0x1  }
0x28a: {  	v3 =	vperm.xlane v3, v2;
	v4 =	vadd.s32 v1, v4;
	_ =	sdelay $0x1  }
0x28b: {  	v3 =	vadd.s32 v1, v3;
	_ =	sdelay $0x2  }
0x28c: {  	[tilespmem:s23], [sflag:$0x1] =	stream.indirect_vreg.gather [hbm4b:s1+s3], $0x80, v4, vm0, $0xb8;
	[tilespmem:$0x18200] =	vst v63  }
0x28d: {  	s23 =	simm.s32 $0x5A00  }
0x28e: {  	[tilespmem:s23], [sflag:$0x1] =	stream.indirect_vreg.gather [hbm4b:s1+s3], $0x80, v3, vm0, $0xb8;
	[tilespmem:$0x18200] =	vst v63  }
0x28f: {  	v3 =	vld [tilespmem:$0x60];
	_ =	sdelay $0x4  }
0x290: {  	v22 =	vshll.u32 v3, $0x1  }
0x291: {  	v3 =	vand.u32 $0x7, v3;
	v4 =	vand.u32 $0xFFFFFFF0, v22  }
0x292: {  	v3 =	vor.u32 v3, v4  }
0x293: {  	v4 =	vperm.xlane v3, v0;
	_ =	sdelay $0x1  }
0x294: {  	v3 =	vperm.xlane v3, v2;
	v4 =	vadd.s32 v1, v4;
	_ =	sdelay $0x1  }
0x295: {  	v3 =	vadd.s32 v1, v3;
	_ =	sdelay $0x2  }
0x296: {  	[tilespmem:s24], [sflag:$0x1] =	stream.indirect_vreg.gather [hbm4b:s1+s3], $0x80, v4, vm0, $0xb8;
	[tilespmem:$0x18200] =	vst v63  }
0x297: {  	s24 =	simm.s32 $0x6A00  }
0x298: {  	[tilespmem:s24], [sflag:$0x1] =	stream.indirect_vreg.gather [hbm4b:s1+s3], $0x80, v3, vm0, $0xb8;
	[tilespmem:$0x18200] =	vst v63  }
0x299: {  	v3 =	vld [tilespmem:$0x70];
	_ =	sdelay $0x4  }
0x29a: {  	v23 =	vshll.u32 v3, $0x1  }
0x29b: {  	v3 =	vand.u32 $0x7, v3;
	v4 =	vand.u32 $0xFFFFFFF0, v23  }
0x29c: {  	v3 =	vor.u32 v3, v4  }
0x29d: {  	v4 =	vperm.xlane v3, v0;
	_ =	sdelay $0x1  }
0x29e: {  	v3 =	vperm.xlane v3, v2;
	v4 =	vadd.s32 v1, v4;
	_ =	sdelay $0x1  }
0x29f: {  	v3 =	vadd.s32 v1, v3;
	_ =	sdelay $0x2  }
0x2a0: {  	[tilespmem:s25], [sflag:$0x1] =	stream.indirect_vreg.gather [hbm4b:s1+s3], $0x80, v4, vm0, $0xb8;
	[tilespmem:$0x18200] =	vst v63  }
0x2a1: {  	s25 =	simm.s32 $0x7A00  }
0x2a2: {  	[tilespmem:s25], [sflag:$0x1] =	stream.indirect_vreg.gather [hbm4b:s1+s3], $0x80, v3, vm0, $0xb8;
	[tilespmem:$0x18200] =	vst v63  }
0x2a3: {  	v3 =	vld [tilespmem:$0x80];
	_ =	sdelay $0x4  }
0x2a4: {  	v24 =	vshll.u32 v3, $0x1  }
0x2a5: {  	v3 =	vand.u32 $0x7, v3;
	v4 =	vand.u32 $0xFFFFFFF0, v24  }
0x2a6: {  	v3 =	vor.u32 v3, v4  }
0x2a7: {  	v4 =	vperm.xlane v3, v0;
	_ =	sdelay $0x1  }
0x2a8: {  	v3 =	vperm.xlane v3, v2;
	v4 =	vadd.s32 v1, v4;
	_ =	sdelay $0x1  }
0x2a9: {  	v3 =	vadd.s32 v1, v3;
	_ =	sdelay $0x2  }
0x2aa: {  	[tilespmem:s26], [sflag:$0x1] =	stream.indirect_vreg.gather [hbm4b:s1+s3], $0x80, v4, vm0, $0xb8;
	[tilespmem:$0x18200] =	vst v63  }
0x2ab: {  	s13 =	simm.s32 $0x8A00  }
0x2ac: {  	[tilespmem:s13], [sflag:$0x1] =	stream.indirect_vreg.gather [hbm4b:s1+s3], $0x80, v3, vm0, $0xb8;
	[tilespmem:$0x18200] =	vst v63  }
0x2ad: {  	v3 =	vld [tilespmem:$0x90];
	_ =	sdelay $0x4  }
0x2ae: {  	v25 =	vshll.u32 v3, $0x1  }
0x2af: {  	v3 =	vand.u32 $0x7, v3;
	v4 =	vand.u32 $0xFFFFFFF0, v25  }
0x2b0: {  	v3 =	vor.u32 v3, v4  }
0x2b1: {  	v4 =	vperm.xlane v3, v0;
	_ =	sdelay $0x1  }
0x2b2: {  	v3 =	vperm.xlane v3, v2;
	v4 =	vadd.s32 v1, v4;
	_ =	sdelay $0x1  }
0x2b3: {  	v3 =	vadd.s32 v1, v3;
	_ =	sdelay $0x2  }
0x2b4: {  	[tilespmem:s28], [sflag:$0x1] =	stream.indirect_vreg.gather [hbm4b:s1+s3], $0x80, v4, vm0, $0xb8;
	[tilespmem:$0x18200] =	vst v63  }
0x2b5: {  	_ = 	snop  }
0x2b6: {  	[tilespmem:s7], [sflag:$0x1] =	stream.indirect_vreg.gather [hbm4b:s1+s3], $0x80, v3, vm0, $0xb8;
	[tilespmem:$0x18200] =	vst v63  }
0x2b7: {  	v3 =	vld [tilespmem:$0xA0];
	_ =	sdelay $0x4  }
0x2b8: {  	v26 =	vshll.u32 v3, $0x1  }
0x2b9: {  	v3 =	vand.u32 $0x7, v3;
	v4 =	vand.u32 $0xFFFFFFF0, v26  }
0x2ba: {  	v3 =	vor.u32 v3, v4  }
0x2bb: {  	v4 =	vperm.xlane v3, v0;
	_ =	sdelay $0x1  }
0x2bc: {  	v3 =	vperm.xlane v3, v2;
	v4 =	vadd.s32 v1, v4;
	_ =	sdelay $0x1  }
0x2bd: {  	v3 =	vadd.s32 v1, v3;
	_ =	sdelay $0x2  }
0x2be: {  	[tilespmem:s29], [sflag:$0x1] =	stream.indirect_vreg.gather [hbm4b:s1+s3], $0x80, v4, vm0, $0xb8;
	[tilespmem:$0x18200] =	vst v63  }
0x2bf: {  	_ = 	snop  }
0x2c0: {  	[tilespmem:s9], [sflag:$0x1] =	stream.indirect_vreg.gather [hbm4b:s1+s3], $0x80, v3, vm0, $0xb8;
	[tilespmem:$0x18200] =	vst v63  }
0x2c1: {  	v3 =	vld [tilespmem:$0xB0];
	_ =	sdelay $0x4  }
0x2c2: {  	v27 =	vshll.u32 v3, $0x1  }
0x2c3: {  	v3 =	vand.u32 $0x7, v3;
	v4 =	vand.u32 $0xFFFFFFF0, v27  }
0x2c4: {  	v3 =	vor.u32 v3, v4  }
0x2c5: {  	v4 =	vperm.xlane v3, v0;
	_ =	sdelay $0x1  }
0x2c6: {  	v3 =	vperm.xlane v3, v2;
	v4 =	vadd.s32 v1, v4;
	_ =	sdelay $0x1  }
0x2c7: {  	v3 =	vadd.s32 v1, v3;
	_ =	sdelay $0x2  }
0x2c8: {  	[tilespmem:s10], [sflag:$0x1] =	stream.indirect_vreg.gather [hbm4b:s1+s3], $0x80, v4, vm0, $0xb8;
	[tilespmem:$0x18200] =	vst v63  }
0x2c9: {  	_ = 	snop  }
0x2ca: {  	[tilespmem:s11], [sflag:$0x1] =	stream.indirect_vreg.gather [hbm4b:s1+s3], $0x80, v3, vm0, $0xb8;
	[tilespmem:$0x18200] =	vst v63  }
0x2cb: {  	_ =	swait.ge [sflag:s31], $0xC000  }
0x2cc: {  	[sflag:s31] =	ssyncset.done $0x0  }
0x2cd: {  	s14 =	rddreg [dreg:$0xc];
	[sflag:s31] =	ssyncadd.s32 $0xFFFF4000  }
0x2ce: {  	[hbm4b:s14+s3] =	stream.linear.scatter [tilespmem:s2], [sflag:$0x3], $0xC000, $0x38;
	[tilespmem:$0x18200] =	vst v63  }
0x2cf: {  	_ =	swait.ge [sflag:s5], $0xC000  }
0x2d0: {  	[sflag:s5] =	ssyncset.done $0x0  }
0x2d1: {  	s16 =	simm.s32 $0x100;
	s15 =	rddreg [dreg:$0xd];
	[sflag:s5] =	ssyncadd.s32 $0xFFFF4000  }
0x2d2: {  	[tilespmem:s16], [sflag:$0x3] =	stream.linear.gather [hbm4b:s15+s3], $0xC0, $0x38;
	[tilespmem:$0x18200] =	vst v63  }
0x2d3: {  	_ =	swait.ge [sflag:s5], $0xC0  }
0x2d4: {  	[sflag:s5] =	ssyncset.done $0x0  }
0x2d5: {  	[sflag:s5] =	ssyncadd.s32 $0xFFFFFF40  }
0x2d6: {  	v3 =	vld [tilespmem:$0x100];
	_ =	sdelay $0x4  }
0x2d7: {  	v28 =	vshll.u32 v3, $0x1  }
0x2d8: {  	v3 =	vand.u32 $0x7, v3;
	v4 =	vand.u32 $0xFFFFFFF0, v28  }
0x2d9: {  	v3 =	vor.u32 v3, v4  }
0x2da: {  	v4 =	vperm.xlane v3, v0;
	_ =	sdelay $0x1  }
0x2db: {  	v3 =	vperm.xlane v3, v2;
	v4 =	vadd.s32 v1, v4;
	_ =	sdelay $0x1  }
0x2dc: {  	v3 =	vadd.s32 v1, v3;
	_ =	sdelay $0x2  }
0x2dd: {  	[tilespmem:s2], [sflag:$0x2] =	stream.indirect_vreg.gather [hbm4b:s1+s3], $0x80, v4, vm0, $0xb8;
	[tilespmem:$0x18200] =	vst v63  }
0x2de: {  	s17 =	simm.s32 $0xCA00  }
0x2df: {  	[tilespmem:s17], [sflag:$0x2] =	stream.indirect_vreg.gather [hbm4b:s1+s3], $0x80, v3, vm0, $0xb8;
	[tilespmem:$0x18200] =	vst v63  }
0x2e0: {  	v3 =	vld [tilespmem:$0x110];
	_ =	sdelay $0x4  }
0x2e1: {  	v29 =	vshll.u32 v3, $0x1  }
0x2e2: {  	v3 =	vand.u32 $0x7, v3;
	v4 =	vand.u32 $0xFFFFFFF0, v29  }
0x2e3: {  	v3 =	vor.u32 v3, v4  }
0x2e4: {  	v4 =	vperm.xlane v3, v0;
	_ =	sdelay $0x1  }
0x2e5: {  	v3 =	vperm.xlane v3, v2;
	v4 =	vadd.s32 v1, v4;
	_ =	sdelay $0x1  }
0x2e6: {  	v3 =	vadd.s32 v1, v3;
	_ =	sdelay $0x1  }
0x2e7: {  	s19 =	simm.s32 $0xD200  }
0x2e8: {  	[tilespmem:s19], [sflag:$0x2] =	stream.indirect_vreg.gather [hbm4b:s1+s3], $0x80, v4, vm0, $0xb8;
	[tilespmem:$0x18200] =	vst v63  }
0x2e9: {  	s19 =	simm.s32 $0xDA00  }
0x2ea: {  	[tilespmem:s19], [sflag:$0x2] =	stream.indirect_vreg.gather [hbm4b:s1+s3], $0x80, v3, vm0, $0xb8;
	[tilespmem:$0x18200] =	vst v63  }
0x2eb: {  	v3 =	vld [tilespmem:$0x120];
	_ =	sdelay $0x4  }
0x2ec: {  	v30 =	vshll.u32 v3, $0x1  }
0x2ed: {  	v3 =	vand.u32 $0x7, v3;
	v4 =	vand.u32 $0xFFFFFFF0, v30  }
0x2ee: {  	v3 =	vor.u32 v3, v4  }
0x2ef: {  	v4 =	vperm.xlane v3, v0;
	_ =	sdelay $0x1  }
0x2f0: {  	v3 =	vperm.xlane v3, v2;
	v4 =	vadd.s32 v1, v4;
	_ =	sdelay $0x1  }
0x2f1: {  	v3 =	vadd.s32 v1, v3;
	_ =	sdelay $0x1  }
0x2f2: {  	s8 =	simm.s32 $0xE200  }
0x2f3: {  	[tilespmem:s8], [sflag:$0x2] =	stream.indirect_vreg.gather [hbm4b:s1+s3], $0x80, v4, vm0, $0xb8;
	[tilespmem:$0x18200] =	vst v63  }
0x2f4: {  	s13 =	simm.s32 $0xEA00  }
0x2f5: {  	[tilespmem:s13], [sflag:$0x2] =	stream.indirect_vreg.gather [hbm4b:s1+s3], $0x80, v3, vm0, $0xb8;
	[tilespmem:$0x18200] =	vst v63  }
0x2f6: {  	v3 =	vld [tilespmem:$0x130];
	_ =	sdelay $0x4  }
0x2f7: {  	v31 =	vshll.u32 v3, $0x1  }
0x2f8: {  	v3 =	vand.u32 $0x7, v3;
	v4 =	vand.u32 $0xFFFFFFF0, v31  }
0x2f9: {  	v3 =	vor.u32 v3, v4  }
0x2fa: {  	v4 =	vperm.xlane v3, v0;
	_ =	sdelay $0x1  }
0x2fb: {  	v3 =	vperm.xlane v3, v2;
	v4 =	vadd.s32 v1, v4;
	_ =	sdelay $0x1  }
0x2fc: {  	v3 =	vadd.s32 v1, v3;
	_ =	sdelay $0x1  }
0x2fd: {  	s14 =	simm.s32 $0xF200  }
0x2fe: {  	[tilespmem:s14], [sflag:$0x2] =	stream.indirect_vreg.gather [hbm4b:s1+s3], $0x80, v4, vm0, $0xb8;
	[tilespmem:$0x18200] =	vst v63  }
0x2ff: {  	s15 =	simm.s32 $0xFA00  }
0x300: {  	[tilespmem:s15], [sflag:$0x2] =	stream.indirect_vreg.gather [hbm4b:s1+s3], $0x80, v3, vm0, $0xb8;
	[tilespmem:$0x18200] =	vst v63  }
0x301: {  	v3 =	vld [tilespmem:$0x140];
	_ =	sdelay $0x4  }
0x302: {  	v32 =	vshll.u32 v3, $0x1  }
0x303: {  	v3 =	vand.u32 $0x7, v3;
	v4 =	vand.u32 $0xFFFFFFF0, v32  }
0x304: {  	v3 =	vor.u32 v3, v4  }
0x305: {  	v4 =	vperm.xlane v3, v0;
	_ =	sdelay $0x1  }
0x306: {  	v3 =	vperm.xlane v3, v2;
	v4 =	vadd.s32 v1, v4;
	_ =	sdelay $0x1  }
0x307: {  	v3 =	vadd.s32 v1, v3;
	_ =	sdelay $0x1  }
0x308: {  	s16 =	simm.s32 $0x10200  }
0x309: {  	[tilespmem:s16], [sflag:$0x2] =	stream.indirect_vreg.gather [hbm4b:s1+s3], $0x80, v4, vm0, $0xb8;
	[tilespmem:$0x18200] =	vst v63  }
0x30a: {  	s17 =	simm.s32 $0x10A00  }
0x30b: {  	[tilespmem:s17], [sflag:$0x2] =	stream.indirect_vreg.gather [hbm4b:s1+s3], $0x80, v3, vm0, $0xb8;
	[tilespmem:$0x18200] =	vst v63  }
0x30c: {  	v3 =	vld [tilespmem:$0x150];
	_ =	sdelay $0x4  }
0x30d: {  	v33 =	vshll.u32 v3, $0x1  }
0x30e: {  	v3 =	vand.u32 $0x7, v3;
	v4 =	vand.u32 $0xFFFFFFF0, v33  }
0x30f: {  	v3 =	vor.u32 v3, v4  }
0x310: {  	v4 =	vperm.xlane v3, v0;
	_ =	sdelay $0x1  }
0x311: {  	v3 =	vperm.xlane v3, v2;
	v4 =	vadd.s32 v1, v4;
	_ =	sdelay $0x1  }
0x312: {  	v3 =	vadd.s32 v1, v3;
	_ =	sdelay $0x1  }
0x313: {  	s14 =	simm.s32 $0x11200  }
0x314: {  	[tilespmem:s14], [sflag:$0x2] =	stream.indirect_vreg.gather [hbm4b:s1+s3], $0x80, v4, vm0, $0xb8;
	[tilespmem:$0x18200] =	vst v63  }
0x315: {  	s15 =	simm.s32 $0x11A00  }
0x316: {  	[tilespmem:s15], [sflag:$0x2] =	stream.indirect_vreg.gather [hbm4b:s1+s3], $0x80, v3, vm0, $0xb8;
	[tilespmem:$0x18200] =	vst v63  }
0x317: {  	v3 =	vld [tilespmem:$0x160];
	_ =	sdelay $0x4  }
0x318: {  	v34 =	vshll.u32 v3, $0x1  }
0x319: {  	v3 =	vand.u32 $0x7, v3;
	v4 =	vand.u32 $0xFFFFFFF0, v34  }
0x31a: {  	v3 =	vor.u32 v3, v4  }
0x31b: {  	v4 =	vperm.xlane v3, v0;
	_ =	sdelay $0x1  }
0x31c: {  	v3 =	vperm.xlane v3, v2;
	v4 =	vadd.s32 v1, v4;
	_ =	sdelay $0x1  }
0x31d: {  	v3 =	vadd.s32 v1, v3;
	_ =	sdelay $0x1  }
0x31e: {  	s16 =	simm.s32 $0x12200  }
0x31f: {  	[tilespmem:s16], [sflag:$0x2] =	stream.indirect_vreg.gather [hbm4b:s1+s3], $0x80, v4, vm0, $0xb8;
	[tilespmem:$0x18200] =	vst v63  }
0x320: {  	s17 =	simm.s32 $0x12A00  }
0x321: {  	[tilespmem:s17], [sflag:$0x2] =	stream.indirect_vreg.gather [hbm4b:s1+s3], $0x80, v3, vm0, $0xb8;
	[tilespmem:$0x18200] =	vst v63  }
0x322: {  	v3 =	vld [tilespmem:$0x170];
	_ =	sdelay $0x4  }
0x323: {  	v35 =	vshll.u32 v3, $0x1  }
0x324: {  	v3 =	vand.u32 $0x7, v3;
	v4 =	vand.u32 $0xFFFFFFF0, v35  }
0x325: {  	v3 =	vor.u32 v3, v4  }
0x326: {  	v4 =	vperm.xlane v3, v0;
	_ =	sdelay $0x1  }
0x327: {  	v3 =	vperm.xlane v3, v2;
	v4 =	vadd.s32 v1, v4;
	_ =	sdelay $0x1  }
0x328: {  	v3 =	vadd.s32 v1, v3;
	_ =	sdelay $0x1  }
0x329: {  	s16 =	simm.s32 $0x13200  }
0x32a: {  	[tilespmem:s16], [sflag:$0x2] =	stream.indirect_vreg.gather [hbm4b:s1+s3], $0x80, v4, vm0, $0xb8;
	[tilespmem:$0x18200] =	vst v63  }
0x32b: {  	s17 =	simm.s32 $0x13A00  }
0x32c: {  	[tilespmem:s17], [sflag:$0x2] =	stream.indirect_vreg.gather [hbm4b:s1+s3], $0x80, v3, vm0, $0xb8;
	[tilespmem:$0x18200] =	vst v63  }
0x32d: {  	v3 =	vld [tilespmem:$0x180];
	_ =	sdelay $0x4  }
0x32e: {  	v36 =	vshll.u32 v3, $0x1  }
0x32f: {  	v3 =	vand.u32 $0x7, v3;
	v4 =	vand.u32 $0xFFFFFFF0, v36  }
0x330: {  	v3 =	vor.u32 v3, v4  }
0x331: {  	v4 =	vperm.xlane v3, v0;
	_ =	sdelay $0x1  }
0x332: {  	v3 =	vperm.xlane v3, v2;
	v4 =	vadd.s32 v1, v4;
	_ =	sdelay $0x1  }
0x333: {  	v3 =	vadd.s32 v1, v3;
	_ =	sdelay $0x1  }
0x334: {  	s17 =	simm.s32 $0x14200  }
0x335: {  	[tilespmem:s17], [sflag:$0x2] =	stream.indirect_vreg.gather [hbm4b:s1+s3], $0x80, v4, vm0, $0xb8;
	[tilespmem:$0x18200] =	vst v63  }
0x336: {  	s0 =	simm.s32 $0x14A00  }
0x337: {  	[tilespmem:s0], [sflag:$0x2] =	stream.indirect_vreg.gather [hbm4b:s1+s3], $0x80, v3, vm0, $0xb8;
	[tilespmem:$0x18200] =	vst v63  }
0x338: {  	v3 =	vld [tilespmem:$0x190];
	_ =	sdelay $0x4  }
0x339: {  	v37 =	vshll.u32 v3, $0x1  }
0x33a: {  	v3 =	vand.u32 $0x7, v3;
	v4 =	vand.u32 $0xFFFFFFF0, v37  }
0x33b: {  	v3 =	vor.u32 v3, v4  }
0x33c: {  	v4 =	vperm.xlane v3, v0;
	_ =	sdelay $0x1  }
0x33d: {  	v3 =	vperm.xlane v3, v2;
	v4 =	vadd.s32 v1, v4;
	_ =	sdelay $0x1  }
0x33e: {  	v3 =	vadd.s32 v1, v3;
	_ =	sdelay $0x1  }
0x33f: {  	s0 =	simm.s32 $0x15200  }
0x340: {  	[tilespmem:s0], [sflag:$0x2] =	stream.indirect_vreg.gather [hbm4b:s1+s3], $0x80, v4, vm0, $0xb8;
	[tilespmem:$0x18200] =	vst v63  }
0x341: {  	s0 =	simm.s32 $0x15A00  }
0x342: {  	[tilespmem:s0], [sflag:$0x2] =	stream.indirect_vreg.gather [hbm4b:s1+s3], $0x80, v3, vm0, $0xb8;
	[tilespmem:$0x18200] =	vst v63  }
0x343: {  	v3 =	vld [tilespmem:$0x1A0];
	_ =	sdelay $0x4  }
0x344: {  	v38 =	vshll.u32 v3, $0x1  }
0x345: {  	v3 =	vand.u32 $0x7, v3;
	v4 =	vand.u32 $0xFFFFFFF0, v38  }
0x346: {  	v3 =	vor.u32 v3, v4  }
0x347: {  	v4 =	vperm.xlane v3, v0;
	_ =	sdelay $0x1  }
0x348: {  	v3 =	vperm.xlane v3, v2;
	v4 =	vadd.s32 v1, v4;
	_ =	sdelay $0x1  }
0x349: {  	v3 =	vadd.s32 v1, v3;
	_ =	sdelay $0x1  }
0x34a: {  	s0 =	simm.s32 $0x16200  }
0x34b: {  	[tilespmem:s0], [sflag:$0x2] =	stream.indirect_vreg.gather [hbm4b:s1+s3], $0x80, v4, vm0, $0xb8;
	[tilespmem:$0x18200] =	vst v63  }
0x34c: {  	s0 =	simm.s32 $0x16A00  }
0x34d: {  	[tilespmem:s0], [sflag:$0x2] =	stream.indirect_vreg.gather [hbm4b:s1+s3], $0x80, v3, vm0, $0xb8;
	[tilespmem:$0x18200] =	vst v63  }
0x34e: {  	v3 =	vld [tilespmem:$0x1B0];
	_ =	sdelay $0x4  }
0x34f: {  	v39 =	vshll.u32 v3, $0x1  }
0x350: {  	v3 =	vand.u32 $0x7, v3;
	v4 =	vand.u32 $0xFFFFFFF0, v39  }
0x351: {  	v3 =	vor.u32 v3, v4  }
0x352: {  	v4 =	vperm.xlane v3, v0;
	_ =	sdelay $0x1  }
0x353: {  	v3 =	vperm.xlane v3, v2;
	v4 =	vadd.s32 v1, v4;
	_ =	sdelay $0x1  }
0x354: {  	v3 =	vadd.s32 v1, v3;
	_ =	sdelay $0x1  }
0x355: {  	s0 =	simm.s32 $0x17200  }
0x356: {  	[tilespmem:s0], [sflag:$0x2] =	stream.indirect_vreg.gather [hbm4b:s1+s3], $0x80, v4, vm0, $0xb8;
	[tilespmem:$0x18200] =	vst v63  }
0x357: {  	s0 =	simm.s32 $0x17A00  }
0x358: {  	[tilespmem:s0], [sflag:$0x2] =	stream.indirect_vreg.gather [hbm4b:s1+s3], $0x80, v3, vm0, $0xb8;
	[tilespmem:$0x18200] =	vst v63  }
0x359: {  	_ =	swait.ge [sflag:s30], $0xC000  }
0x35a: {  	[sflag:s30] =	ssyncset.done $0x0  }
0x35b: {  	s0 =	rddreg [dreg:$0xe];
	[sflag:s30] =	ssyncadd.s32 $0xFFFF4000  }
0x35c: {  	[hbm4b:s0+s3] =	stream.linear.scatter [tilespmem:s12], [sflag:$0x3], $0xC000, $0x38;
	[tilespmem:$0x18200] =	vst v63  }
0x35d: {  	_ =	swait.ge [sflag:s5], $0xC000  }
0x35e: {  	[sflag:s5] =	ssyncset.done $0x0  }
0x35f: {  	s0 =	rddreg [dreg:$0xf];
	[sflag:s5] =	ssyncadd.s32 $0xFFFF4000  }
0x360: {  	[tilespmem:s3], [sflag:$0x3] =	stream.linear.gather [hbm4b:s0+s3], $0xC0, $0x38;
	[tilespmem:$0x18200] =	vst v63  }
0x361: {  	_ =	swait.ge [sflag:s5], $0xC0  }
0x362: {  	[sflag:s5] =	ssyncset.done $0x0  }
0x363: {  	[sflag:s5] =	ssyncadd.s32 $0xFFFFFF40  }
0x364: {  	v3 =	vld [tilespmem:$0x0];
	_ =	sdelay $0x4  }
0x365: {  	v40 =	vshll.u32 v3, $0x1  }
0x366: {  	v3 =	vand.u32 $0x7, v3;
	v4 =	vand.u32 $0xFFFFFFF0, v40  }
0x367: {  	v3 =	vor.u32 v3, v4  }
0x368: {  	v4 =	vperm.xlane v3, v0;
	_ =	sdelay $0x1  }
0x369: {  	v3 =	vperm.xlane v3, v2;
	v4 =	vadd.s32 v1, v4;
	_ =	sdelay $0x1  }
0x36a: {  	v3 =	vadd.s32 v1, v3;
	_ =	sdelay $0x2  }
0x36b: {  	[tilespmem:s12], [sflag:$0x1] =	stream.indirect_vreg.gather [hbm4b:s1+s3], $0x80, v4, vm0, $0xb8;
	[tilespmem:$0x18200] =	vst v63  }
0x36c: {  	s0 =	simm.s32 $0xA00  }
0x36d: {  	[tilespmem:s0], [sflag:$0x1] =	stream.indirect_vreg.gather [hbm4b:s1+s3], $0x80, v3, vm0, $0xb8;
	[tilespmem:$0x18200] =	vst v63  }
0x36e: {  	v3 =	vld [tilespmem:$0x10];
	_ =	sdelay $0x4  }
0x36f: {  	v41 =	vshll.u32 v3, $0x1  }
0x370: {  	v3 =	vand.u32 $0x7, v3;
	v4 =	vand.u32 $0xFFFFFFF0, v41  }
0x371: {  	v3 =	vor.u32 v3, v4  }
0x372: {  	v4 =	vperm.xlane v3, v0;
	_ =	sdelay $0x1  }
0x373: {  	v3 =	vperm.xlane v3, v2;
	v4 =	vadd.s32 v1, v4;
	_ =	sdelay $0x1  }
0x374: {  	v3 =	vadd.s32 v1, v3;
	_ =	sdelay $0x1  }
0x375: {  	s6 =	simm.s32 $0x1200  }
0x376: {  	[tilespmem:s6], [sflag:$0x1] =	stream.indirect_vreg.gather [hbm4b:s1+s3], $0x80, v4, vm0, $0xb8;
	[tilespmem:$0x18200] =	vst v63  }
0x377: {  	s6 =	simm.s32 $0x1A00  }
0x378: {  	[tilespmem:s6], [sflag:$0x1] =	stream.indirect_vreg.gather [hbm4b:s1+s3], $0x80, v3, vm0, $0xb8;
	[tilespmem:$0x18200] =	vst v63  }
0x379: {  	v3 =	vld [tilespmem:$0x20];
	_ =	sdelay $0x4  }
0x37a: {  	v42 =	vshll.u32 v3, $0x1  }
0x37b: {  	v3 =	vand.u32 $0x7, v3;
	v4 =	vand.u32 $0xFFFFFFF0, v42  }
0x37c: {  	v3 =	vor.u32 v3, v4  }
0x37d: {  	v4 =	vperm.xlane v3, v0;
	_ =	sdelay $0x1  }
0x37e: {  	v3 =	vperm.xlane v3, v2;
	v4 =	vadd.s32 v1, v4;
	_ =	sdelay $0x1  }
0x37f: {  	v3 =	vadd.s32 v1, v3;
	_ =	sdelay $0x1  }
0x380: {  	s18 =	simm.s32 $0x2200  }
0x381: {  	[tilespmem:s18], [sflag:$0x1] =	stream.indirect_vreg.gather [hbm4b:s1+s3], $0x80, v4, vm0, $0xb8;
	[tilespmem:$0x18200] =	vst v63  }
0x382: {  	s6 =	simm.s32 $0x2A00  }
0x383: {  	[tilespmem:s6], [sflag:$0x1] =	stream.indirect_vreg.gather [hbm4b:s1+s3], $0x80, v3, vm0, $0xb8;
	[tilespmem:$0x18200] =	vst v63  }
0x384: {  	v3 =	vld [tilespmem:$0x30];
	_ =	sdelay $0x4  }
0x385: {  	v43 =	vshll.u32 v3, $0x1  }
0x386: {  	v3 =	vand.u32 $0x7, v3;
	v4 =	vand.u32 $0xFFFFFFF0, v43  }
0x387: {  	v3 =	vor.u32 v3, v4  }
0x388: {  	v4 =	vperm.xlane v3, v0;
	_ =	sdelay $0x1  }
0x389: {  	v3 =	vperm.xlane v3, v2;
	v4 =	vadd.s32 v1, v4;
	_ =	sdelay $0x1  }
0x38a: {  	v3 =	vadd.s32 v1, v3;
	_ =	sdelay $0x1  }
0x38b: {  	s20 =	simm.s32 $0x3200  }
0x38c: {  	[tilespmem:s20], [sflag:$0x1] =	stream.indirect_vreg.gather [hbm4b:s1+s3], $0x80, v4, vm0, $0xb8;
	[tilespmem:$0x18200] =	vst v63  }
0x38d: {  	s18 =	simm.s32 $0x3A00  }
0x38e: {  	[tilespmem:s18], [sflag:$0x1] =	stream.indirect_vreg.gather [hbm4b:s1+s3], $0x80, v3, vm0, $0xb8;
	[tilespmem:$0x18200] =	vst v63  }
0x38f: {  	v3 =	vld [tilespmem:$0x40];
	_ =	sdelay $0x4  }
0x390: {  	v44 =	vshll.u32 v3, $0x1  }
0x391: {  	v3 =	vand.u32 $0x7, v3;
	v4 =	vand.u32 $0xFFFFFFF0, v44  }
0x392: {  	v3 =	vor.u32 v3, v4  }
0x393: {  	v4 =	vperm.xlane v3, v0;
	_ =	sdelay $0x1  }
0x394: {  	v3 =	vperm.xlane v3, v2;
	v4 =	vadd.s32 v1, v4;
	_ =	sdelay $0x1  }
0x395: {  	v3 =	vadd.s32 v1, v3;
	_ =	sdelay $0x1  }
0x396: {  	s21 =	simm.s32 $0x4200  }
0x397: {  	[tilespmem:s21], [sflag:$0x1] =	stream.indirect_vreg.gather [hbm4b:s1+s3], $0x80, v4, vm0, $0xb8;
	[tilespmem:$0x18200] =	vst v63  }
0x398: {  	s20 =	simm.s32 $0x4A00  }
0x399: {  	[tilespmem:s20], [sflag:$0x1] =	stream.indirect_vreg.gather [hbm4b:s1+s3], $0x80, v3, vm0, $0xb8;
	[tilespmem:$0x18200] =	vst v63  }
0x39a: {  	v3 =	vld [tilespmem:$0x50];
	_ =	sdelay $0x4  }
0x39b: {  	v45 =	vshll.u32 v3, $0x1  }
0x39c: {  	v3 =	vand.u32 $0x7, v3;
	v4 =	vand.u32 $0xFFFFFFF0, v45  }
0x39d: {  	v3 =	vor.u32 v3, v4  }
0x39e: {  	v4 =	vperm.xlane v3, v0;
	_ =	sdelay $0x1  }
0x39f: {  	v3 =	vperm.xlane v3, v2;
	v4 =	vadd.s32 v1, v4;
	_ =	sdelay $0x1  }
0x3a0: {  	v3 =	vadd.s32 v1, v3;
	_ =	sdelay $0x1  }
0x3a1: {  	s22 =	simm.s32 $0x5200  }
0x3a2: {  	[tilespmem:s22], [sflag:$0x1] =	stream.indirect_vreg.gather [hbm4b:s1+s3], $0x80, v4, vm0, $0xb8;
	[tilespmem:$0x18200] =	vst v63  }
0x3a3: {  	s21 =	simm.s32 $0x5A00  }
0x3a4: {  	[tilespmem:s21], [sflag:$0x1] =	stream.indirect_vreg.gather [hbm4b:s1+s3], $0x80, v3, vm0, $0xb8;
	[tilespmem:$0x18200] =	vst v63  }
0x3a5: {  	v3 =	vld [tilespmem:$0x60];
	_ =	sdelay $0x4  }
0x3a6: {  	v46 =	vshll.u32 v3, $0x1  }
0x3a7: {  	v3 =	vand.u32 $0x7, v3;
	v4 =	vand.u32 $0xFFFFFFF0, v46  }
0x3a8: {  	v3 =	vor.u32 v3, v4  }
0x3a9: {  	v4 =	vperm.xlane v3, v0;
	_ =	sdelay $0x1  }
0x3aa: {  	v3 =	vperm.xlane v3, v2;
	v4 =	vadd.s32 v1, v4;
	_ =	sdelay $0x1  }
0x3ab: {  	v3 =	vadd.s32 v1, v3;
	_ =	sdelay $0x1  }
0x3ac: {  	s23 =	simm.s32 $0x6200  }
0x3ad: {  	[tilespmem:s23], [sflag:$0x1] =	stream.indirect_vreg.gather [hbm4b:s1+s3], $0x80, v4, vm0, $0xb8;
	[tilespmem:$0x18200] =	vst v63  }
0x3ae: {  	s22 =	simm.s32 $0x6A00  }
0x3af: {  	[tilespmem:s22], [sflag:$0x1] =	stream.indirect_vreg.gather [hbm4b:s1+s3], $0x80, v3, vm0, $0xb8;
	[tilespmem:$0x18200] =	vst v63  }
0x3b0: {  	v3 =	vld [tilespmem:$0x70];
	_ =	sdelay $0x4  }
0x3b1: {  	v47 =	vshll.u32 v3, $0x1  }
0x3b2: {  	v3 =	vand.u32 $0x7, v3;
	v4 =	vand.u32 $0xFFFFFFF0, v47  }
0x3b3: {  	v3 =	vor.u32 v3, v4  }
0x3b4: {  	v4 =	vperm.xlane v3, v0;
	_ =	sdelay $0x1  }
0x3b5: {  	v3 =	vperm.xlane v3, v2;
	v4 =	vadd.s32 v1, v4;
	_ =	sdelay $0x1  }
0x3b6: {  	v3 =	vadd.s32 v1, v3;
	_ =	sdelay $0x1  }
0x3b7: {  	s24 =	simm.s32 $0x7200  }
0x3b8: {  	[tilespmem:s24], [sflag:$0x1] =	stream.indirect_vreg.gather [hbm4b:s1+s3], $0x80, v4, vm0, $0xb8;
	[tilespmem:$0x18200] =	vst v63  }
0x3b9: {  	s23 =	simm.s32 $0x7A00  }
0x3ba: {  	[tilespmem:s23], [sflag:$0x1] =	stream.indirect_vreg.gather [hbm4b:s1+s3], $0x80, v3, vm0, $0xb8;
	[tilespmem:$0x18200] =	vst v63  }
0x3bb: {  	v3 =	vld [tilespmem:$0x80];
	_ =	sdelay $0x4  }
0x3bc: {  	v48 =	vshll.u32 v3, $0x1  }
0x3bd: {  	v3 =	vand.u32 $0x7, v3;
	v4 =	vand.u32 $0xFFFFFFF0, v48  }
0x3be: {  	v3 =	vor.u32 v3, v4  }
0x3bf: {  	v4 =	vperm.xlane v3, v0;
	_ =	sdelay $0x1  }
0x3c0: {  	v3 =	vperm.xlane v3, v2;
	v4 =	vadd.s32 v1, v4;
	_ =	sdelay $0x1  }
0x3c1: {  	v3 =	vadd.s32 v1, v3;
	_ =	sdelay $0x1  }
0x3c2: {  	s25 =	simm.s32 $0x8200  }
0x3c3: {  	[tilespmem:s25], [sflag:$0x1] =	stream.indirect_vreg.gather [hbm4b:s1+s3], $0x80, v4, vm0, $0xb8;
	[tilespmem:$0x18200] =	vst v63  }
0x3c4: {  	s24 =	simm.s32 $0x8A00  }
0x3c5: {  	[tilespmem:s24], [sflag:$0x1] =	stream.indirect_vreg.gather [hbm4b:s1+s3], $0x80, v3, vm0, $0xb8;
	[tilespmem:$0x18200] =	vst v63  }
0x3c6: {  	v3 =	vld [tilespmem:$0x90];
	_ =	sdelay $0x4  }
0x3c7: {  	v49 =	vshll.u32 v3, $0x1  }
0x3c8: {  	v3 =	vand.u32 $0x7, v3;
	v4 =	vand.u32 $0xFFFFFFF0, v49  }
0x3c9: {  	v3 =	vor.u32 v3, v4  }
0x3ca: {  	v4 =	vperm.xlane v3, v0;
	_ =	sdelay $0x1  }
0x3cb: {  	v3 =	vperm.xlane v3, v2;
	v4 =	vadd.s32 v1, v4;
	_ =	sdelay $0x1  }
0x3cc: {  	v3 =	vadd.s32 v1, v3;
	_ =	sdelay $0x1  }
0x3cd: {  	s26 =	simm.s32 $0x9200  }
0x3ce: {  	[tilespmem:s26], [sflag:$0x1] =	stream.indirect_vreg.gather [hbm4b:s1+s3], $0x80, v4, vm0, $0xb8;
	[tilespmem:$0x18200] =	vst v63  }
0x3cf: {  	s7 =	simm.s32 $0x9A00  }
0x3d0: {  	[tilespmem:s7], [sflag:$0x1] =	stream.indirect_vreg.gather [hbm4b:s1+s3], $0x80, v3, vm0, $0xb8;
	[tilespmem:$0x18200] =	vst v63  }
0x3d1: {  	v3 =	vld [tilespmem:$0xA0];
	_ =	sdelay $0x4  }
0x3d2: {  	v50 =	vshll.u32 v3, $0x1  }
0x3d3: {  	v3 =	vand.u32 $0x7, v3;
	v4 =	vand.u32 $0xFFFFFFF0, v50  }
0x3d4: {  	v3 =	vor.u32 v3, v4  }
0x3d5: {  	v4 =	vperm.xlane v3, v0;
	_ =	sdelay $0x1  }
0x3d6: {  	v3 =	vperm.xlane v3, v2;
	v4 =	vadd.s32 v1, v4;
	_ =	sdelay $0x1  }
0x3d7: {  	v3 =	vadd.s32 v1, v3;
	_ =	sdelay $0x1  }
0x3d8: {  	s28 =	simm.s32 $0xA200  }
0x3d9: {  	[tilespmem:s28], [sflag:$0x1] =	stream.indirect_vreg.gather [hbm4b:s1+s3], $0x80, v4, vm0, $0xb8;
	[tilespmem:$0x18200] =	vst v63  }
0x3da: {  	s9 =	simm.s32 $0xAA00  }
0x3db: {  	[tilespmem:s9], [sflag:$0x1] =	stream.indirect_vreg.gather [hbm4b:s1+s3], $0x80, v3, vm0, $0xb8;
	[tilespmem:$0x18200] =	vst v63  }
0x3dc: {  	v3 =	vld [tilespmem:$0xB0];
	_ =	sdelay $0x4  }
0x3dd: {  	v51 =	vshll.u32 v3, $0x1  }
0x3de: {  	v3 =	vand.u32 $0x7, v3;
	v4 =	vand.u32 $0xFFFFFFF0, v51  }
0x3df: {  	v3 =	vor.u32 v3, v4  }
0x3e0: {  	v4 =	vperm.xlane v3, v0;
	_ =	sdelay $0x1  }
0x3e1: {  	v3 =	vperm.xlane v3, v2;
	v4 =	vadd.s32 v1, v4;
	_ =	sdelay $0x1  }
0x3e2: {  	v3 =	vadd.s32 v1, v3;
	_ =	sdelay $0x1  }
0x3e3: {  	s10 =	simm.s32 $0xB200  }
0x3e4: {  	[tilespmem:s10], [sflag:$0x1] =	stream.indirect_vreg.gather [hbm4b:s1+s3], $0x80, v4, vm0, $0xb8;
	[tilespmem:$0x18200] =	vst v63  }
0x3e5: {  	s11 =	simm.s32 $0xBA00  }
0x3e6: {  	[tilespmem:s11], [sflag:$0x1] =	stream.indirect_vreg.gather [hbm4b:s1+s3], $0x80, v3, vm0, $0xb8;
	[tilespmem:$0x18200] =	vst v63  }
0x3e7: {  	_ =	swait.ge [sflag:s31], $0xC000  }
0x3e8: {  	[sflag:s31] =	ssyncset.done $0x0  }
0x3e9: {  	s25 =	rddreg [dreg:$0x10];
	[sflag:s31] =	ssyncadd.s32 $0xFFFF4000  }
0x3ea: {  	[hbm4b:s25+s3] =	stream.linear.scatter [tilespmem:s2], [sflag:$0x3], $0xC000, $0x38;
	[tilespmem:$0x18200] =	vst v63  }
0x3eb: {  	_ =	swait.ge [sflag:s5], $0xC000  }
0x3ec: {  	[sflag:s5] =	ssyncset.done $0x0  }
0x3ed: {  	s28 =	simm.s32 $0x100;
	s26 =	rddreg [dreg:$0x11];
	[sflag:s5] =	ssyncadd.s32 $0xFFFF4000  }
0x3ee: {  	[tilespmem:s28], [sflag:$0x3] =	stream.linear.gather [hbm4b:s26+s3], $0xC0, $0x38;
	[tilespmem:$0x18200] =	vst v63  }
0x3ef: {  	_ =	swait.ge [sflag:s5], $0xC0  }
0x3f0: {  	[sflag:s5] =	ssyncset.done $0x0  }
0x3f1: {  	[sflag:s5] =	ssyncadd.s32 $0xFFFFFF40  }
0x3f2: {  	v3 =	vld [tilespmem:$0x100];
	_ =	sdelay $0x4  }
0x3f3: {  	v52 =	vshll.u32 v3, $0x1  }
0x3f4: {  	v3 =	vand.u32 $0x7, v3;
	v4 =	vand.u32 $0xFFFFFFF0, v52  }
0x3f5: {  	v3 =	vor.u32 v3, v4  }
0x3f6: {  	v4 =	vperm.xlane v3, v0;
	_ =	sdelay $0x1  }
0x3f7: {  	v3 =	vperm.xlane v3, v2;
	v4 =	vadd.s32 v1, v4;
	_ =	sdelay $0x1  }
0x3f8: {  	v3 =	vadd.s32 v1, v3;
	_ =	sdelay $0x2  }
0x3f9: {  	[tilespmem:s2], [sflag:$0x2] =	stream.indirect_vreg.gather [hbm4b:s1+s3], $0x80, v4, vm0, $0xb8;
	[tilespmem:$0x18200] =	vst v63  }
0x3fa: {  	s7 =	simm.s32 $0xCA00  }
0x3fb: {  	[tilespmem:s7], [sflag:$0x2] =	stream.indirect_vreg.gather [hbm4b:s1+s3], $0x80, v3, vm0, $0xb8;
	[tilespmem:$0x18200] =	vst v63  }
0x3fc: {  	v3 =	vld [tilespmem:$0x110];
	_ =	sdelay $0x4  }
0x3fd: {  	v53 =	vshll.u32 v3, $0x1  }
0x3fe: {  	v3 =	vand.u32 $0x7, v3;
	v4 =	vand.u32 $0xFFFFFFF0, v53  }
0x3ff: {  	v3 =	vor.u32 v3, v4  }
0x400: {  	v4 =	vperm.xlane v3, v0;
	_ =	sdelay $0x1  }
0x401: {  	v3 =	vperm.xlane v3, v2;
	v4 =	vadd.s32 v1, v4;
	_ =	sdelay $0x1  }
0x402: {  	v3 =	vadd.s32 v1, v3;
	_ =	sdelay $0x1  }
0x403: {  	s29 =	simm.s32 $0xD200  }
0x404: {  	[tilespmem:s29], [sflag:$0x2] =	stream.indirect_vreg.gather [hbm4b:s1+s3], $0x80, v4, vm0, $0xb8;
	[tilespmem:$0x18200] =	vst v63  }
0x405: {  	s9 =	simm.s32 $0xDA00  }
0x406: {  	[tilespmem:s9], [sflag:$0x2] =	stream.indirect_vreg.gather [hbm4b:s1+s3], $0x80, v3, vm0, $0xb8;
	[tilespmem:$0x18200] =	vst v63  }
0x407: {  	v3 =	vld [tilespmem:$0x120];
	_ =	sdelay $0x4  }
0x408: {  	v54 =	vshll.u32 v3, $0x1  }
0x409: {  	v3 =	vand.u32 $0x7, v3;
	v4 =	vand.u32 $0xFFFFFFF0, v54  }
0x40a: {  	v3 =	vor.u32 v3, v4  }
0x40b: {  	v4 =	vperm.xlane v3, v0;
	_ =	sdelay $0x1  }
0x40c: {  	v3 =	vperm.xlane v3, v2;
	v4 =	vadd.s32 v1, v4;
	_ =	sdelay $0x1  }
0x40d: {  	v3 =	vadd.s32 v1, v3;
	_ =	sdelay $0x1  }
0x40e: {  	s19 =	simm.s32 $0xE200  }
0x40f: {  	[tilespmem:s19], [sflag:$0x2] =	stream.indirect_vreg.gather [hbm4b:s1+s3], $0x80, v4, vm0, $0xb8;
	[tilespmem:$0x18200] =	vst v63  }
0x410: {  	s10 =	simm.s32 $0xEA00  }
0x411: {  	[tilespmem:s10], [sflag:$0x2] =	stream.indirect_vreg.gather [hbm4b:s1+s3], $0x80, v3, vm0, $0xb8;
	[tilespmem:$0x18200] =	vst v63  }
0x412: {  	v3 =	vld [tilespmem:$0x130];
	_ =	sdelay $0x4  }
0x413: {  	v55 =	vshll.u32 v3, $0x1  }
0x414: {  	v3 =	vand.u32 $0x7, v3;
	v4 =	vand.u32 $0xFFFFFFF0, v55  }
0x415: {  	v3 =	vor.u32 v3, v4  }
0x416: {  	v4 =	vperm.xlane v3, v0;
	_ =	sdelay $0x1  }
0x417: {  	v3 =	vperm.xlane v3, v2;
	v4 =	vadd.s32 v1, v4;
	_ =	sdelay $0x1  }
0x418: {  	v3 =	vadd.s32 v1, v3;
	_ =	sdelay $0x1  }
0x419: {  	s8 =	simm.s32 $0xF200  }
0x41a: {  	[tilespmem:s8], [sflag:$0x2] =	stream.indirect_vreg.gather [hbm4b:s1+s3], $0x80, v4, vm0, $0xb8;
	[tilespmem:$0x18200] =	vst v63  }
0x41b: {  	s11 =	simm.s32 $0xFA00  }
0x41c: {  	[tilespmem:s11], [sflag:$0x2] =	stream.indirect_vreg.gather [hbm4b:s1+s3], $0x80, v3, vm0, $0xb8;
	[tilespmem:$0x18200] =	vst v63  }
0x41d: {  	v3 =	vld [tilespmem:$0x140];
	_ =	sdelay $0x4  }
0x41e: {  	v56 =	vshll.u32 v3, $0x1  }
0x41f: {  	v3 =	vand.u32 $0x7, v3;
	v4 =	vand.u32 $0xFFFFFFF0, v56  }
0x420: {  	v3 =	vor.u32 v3, v4  }
0x421: {  	v4 =	vperm.xlane v3, v0;
	_ =	sdelay $0x1  }
0x422: {  	v3 =	vperm.xlane v3, v2;
	v4 =	vadd.s32 v1, v4;
	_ =	sdelay $0x1  }
0x423: {  	v3 =	vadd.s32 v1, v3;
	_ =	sdelay $0x1  }
0x424: {  	s13 =	simm.s32 $0x10200  }
0x425: {  	[tilespmem:s13], [sflag:$0x2] =	stream.indirect_vreg.gather [hbm4b:s1+s3], $0x80, v4, vm0, $0xb8;
	[tilespmem:$0x18200] =	vst v63  }
0x426: {  	s13 =	simm.s32 $0x10A00  }
0x427: {  	[tilespmem:s13], [sflag:$0x2] =	stream.indirect_vreg.gather [hbm4b:s1+s3], $0x80, v3, vm0, $0xb8;
	[tilespmem:$0x18200] =	vst v63  }
0x428: {  	v3 =	vld [tilespmem:$0x150];
	_ =	sdelay $0x4  }
0x429: {  	v57 =	vshll.u32 v3, $0x1  }
0x42a: {  	v3 =	vand.u32 $0x7, v3;
	v4 =	vand.u32 $0xFFFFFFF0, v57  }
0x42b: {  	v3 =	vor.u32 v3, v4  }
0x42c: {  	v4 =	vperm.xlane v3, v0;
	_ =	sdelay $0x1  }
0x42d: {  	v3 =	vperm.xlane v3, v2;
	v4 =	vadd.s32 v1, v4;
	_ =	sdelay $0x1  }
0x42e: {  	v3 =	vadd.s32 v1, v3;
	_ =	sdelay $0x1  }
0x42f: {  	s14 =	simm.s32 $0x11200  }
0x430: {  	[tilespmem:s14], [sflag:$0x2] =	stream.indirect_vreg.gather [hbm4b:s1+s3], $0x80, v4, vm0, $0xb8;
	[tilespmem:$0x18200] =	vst v63  }
0x431: {  	s14 =	simm.s32 $0x11A00  }
0x432: {  	[tilespmem:s14], [sflag:$0x2] =	stream.indirect_vreg.gather [hbm4b:s1+s3], $0x80, v3, vm0, $0xb8;
	[tilespmem:$0x18200] =	vst v63  }
0x433: {  	v3 =	vld [tilespmem:$0x160];
	_ =	sdelay $0x4  }
0x434: {  	v58 =	vshll.u32 v3, $0x1  }
0x435: {  	v3 =	vand.u32 $0x7, v3;
	v4 =	vand.u32 $0xFFFFFFF0, v58  }
0x436: {  	v3 =	vor.u32 v3, v4  }
0x437: {  	v4 =	vperm.xlane v3, v0;
	_ =	sdelay $0x1  }
0x438: {  	v3 =	vperm.xlane v3, v2;
	v4 =	vadd.s32 v1, v4;
	_ =	sdelay $0x1  }
0x439: {  	v3 =	vadd.s32 v1, v3;
	_ =	sdelay $0x1  }
0x43a: {  	s15 =	simm.s32 $0x12200  }
0x43b: {  	[tilespmem:s15], [sflag:$0x2] =	stream.indirect_vreg.gather [hbm4b:s1+s3], $0x80, v4, vm0, $0xb8;
	[tilespmem:$0x18200] =	vst v63  }
0x43c: {  	s18 =	simm.s32 $0x12A00  }
0x43d: {  	[tilespmem:s18], [sflag:$0x2] =	stream.indirect_vreg.gather [hbm4b:s1+s3], $0x80, v3, vm0, $0xb8;
	[tilespmem:$0x18200] =	vst v63  }
0x43e: {  	v3 =	vld [tilespmem:$0x170];
	_ =	sdelay $0x4  }
0x43f: {  	v59 =	vshll.u32 v3, $0x1  }
0x440: {  	v3 =	vand.u32 $0x7, v3;
	v4 =	vand.u32 $0xFFFFFFF0, v59  }
0x441: {  	v3 =	vor.u32 v3, v4  }
0x442: {  	v4 =	vperm.xlane v3, v0;
	_ =	sdelay $0x1  }
0x443: {  	v3 =	vperm.xlane v3, v2;
	v4 =	vadd.s32 v1, v4;
	_ =	sdelay $0x1  }
0x444: {  	v3 =	vadd.s32 v1, v3;
	_ =	sdelay $0x1  }
0x445: {  	s16 =	simm.s32 $0x13200  }
0x446: {  	[tilespmem:s16], [sflag:$0x2] =	stream.indirect_vreg.gather [hbm4b:s1+s3], $0x80, v4, vm0, $0xb8;
	[tilespmem:$0x18200] =	vst v63  }
0x447: {  	s19 =	simm.s32 $0x13A00  }
0x448: {  	[tilespmem:s19], [sflag:$0x2] =	stream.indirect_vreg.gather [hbm4b:s1+s3], $0x80, v3, vm0, $0xb8;
	[tilespmem:$0x18200] =	vst v63  }
0x449: {  	v3 =	vld [tilespmem:$0x180];
	_ =	sdelay $0x4  }
0x44a: {  	v60 =	vshll.u32 v3, $0x1  }
0x44b: {  	v3 =	vand.u32 $0x7, v3;
	v4 =	vand.u32 $0xFFFFFFF0, v60  }
0x44c: {  	v3 =	vor.u32 v3, v4  }
0x44d: {  	v4 =	vperm.xlane v3, v0;
	_ =	sdelay $0x1  }
0x44e: {  	v3 =	vperm.xlane v3, v2;
	v4 =	vadd.s32 v1, v4;
	_ =	sdelay $0x1  }
0x44f: {  	v3 =	vadd.s32 v1, v3;
	_ =	sdelay $0x1  }
0x450: {  	s17 =	simm.s32 $0x14200  }
0x451: {  	[tilespmem:s17], [sflag:$0x2] =	stream.indirect_vreg.gather [hbm4b:s1+s3], $0x80, v4, vm0, $0xb8;
	[tilespmem:$0x18200] =	vst v63  }
0x452: {  	s20 =	simm.s32 $0x14A00  }
0x453: {  	[tilespmem:s20], [sflag:$0x2] =	stream.indirect_vreg.gather [hbm4b:s1+s3], $0x80, v3, vm0, $0xb8;
	[tilespmem:$0x18200] =	vst v63  }
0x454: {  	v3 =	vld [tilespmem:$0x190];
	_ =	sdelay $0x4  }
0x455: {  	v61 =	vshll.u32 v3, $0x1  }
0x456: {  	v3 =	vand.u32 $0x7, v3;
	v4 =	vand.u32 $0xFFFFFFF0, v61  }
0x457: {  	v3 =	vor.u32 v3, v4  }
0x458: {  	v4 =	vperm.xlane v3, v0;
	_ =	sdelay $0x1  }
0x459: {  	v3 =	vperm.xlane v3, v2;
	v4 =	vadd.s32 v1, v4;
	_ =	sdelay $0x1  }
0x45a: {  	v3 =	vadd.s32 v1, v3;
	_ =	sdelay $0x1  }
0x45b: {  	s21 =	simm.s32 $0x15200  }
0x45c: {  	[tilespmem:s21], [sflag:$0x2] =	stream.indirect_vreg.gather [hbm4b:s1+s3], $0x80, v4, vm0, $0xb8;
	[tilespmem:$0x18200] =	vst v63  }
0x45d: {  	s22 =	simm.s32 $0x15A00  }
0x45e: {  	[tilespmem:s22], [sflag:$0x2] =	stream.indirect_vreg.gather [hbm4b:s1+s3], $0x80, v3, vm0, $0xb8;
	[tilespmem:$0x18200] =	vst v63  }
0x45f: {  	v3 =	vld [tilespmem:$0x1A0];
	_ =	sdelay $0x4  }
0x460: {  	v62 =	vshll.u32 v3, $0x1  }
0x461: {  	v3 =	vand.u32 $0x7, v3;
	v4 =	vand.u32 $0xFFFFFFF0, v62  }
0x462: {  	v3 =	vor.u32 v3, v4  }
0x463: {  	v4 =	vperm.xlane v3, v0;
	_ =	sdelay $0x1  }
0x464: {  	v3 =	vperm.xlane v3, v2;
	v4 =	vadd.s32 v1, v4;
	_ =	sdelay $0x1  }
0x465: {  	v3 =	vadd.s32 v1, v3;
	_ =	sdelay $0x1  }
0x466: {  	s23 =	simm.s32 $0x16200  }
0x467: {  	[tilespmem:s23], [sflag:$0x2] =	stream.indirect_vreg.gather [hbm4b:s1+s3], $0x80, v4, vm0, $0xb8;
	[tilespmem:$0x18200] =	vst v63  }
0x468: {  	s24 =	simm.s32 $0x16A00  }
0x469: {  	[tilespmem:s24], [sflag:$0x2] =	stream.indirect_vreg.gather [hbm4b:s1+s3], $0x80, v3, vm0, $0xb8;
	[tilespmem:$0x18200] =	vst v63  }
0x46a: {  	v3 =	vld [tilespmem:$0x1B0];
	_ =	sdelay $0x4  }
0x46b: {  	v63 =	vshll.u32 v3, $0x1  }
0x46c: {  	v3 =	vand.u32 $0x7, v3;
	v4 =	vand.u32 $0xFFFFFFF0, v63  }
0x46d: {  	v3 =	vor.u32 v3, v4  }
0x46e: {  	v4 =	vperm.xlane v3, v0;
	_ =	sdelay $0x1  }
0x46f: {  	v3 =	vperm.xlane v3, v2;
	v4 =	vadd.s32 v1, v4;
	_ =	sdelay $0x1  }
0x470: {  	v3 =	vadd.s32 v1, v3;
	_ =	sdelay $0x1  }
0x471: {  	s25 =	simm.s32 $0x17200  }
0x472: {  	[tilespmem:s25], [sflag:$0x2] =	stream.indirect_vreg.gather [hbm4b:s1+s3], $0x80, v4, vm0, $0xb8;
	[tilespmem:$0x18200] =	vst v63  }
0x473: {  	s26 =	simm.s32 $0x17A00  }
0x474: {  	[tilespmem:s26], [sflag:$0x2] =	stream.indirect_vreg.gather [hbm4b:s1+s3], $0x80, v3, vm0, $0xb8;
	[tilespmem:$0x18200] =	vst v63  }
0x475: {  	_ =	swait.ge [sflag:s30], $0xC000  }
0x476: {  	[sflag:s30] =	ssyncset.done $0x0  }
0x477: {  	s28 =	rddreg [dreg:$0x12];
	[sflag:s30] =	ssyncadd.s32 $0xFFFF4000  }
0x478: {  	[hbm4b:s28+s3] =	stream.linear.scatter [tilespmem:s12], [sflag:$0x3], $0xC000, $0x38;
	[tilespmem:$0x18200] =	vst v63  }
0x479: {  	_ =	swait.ge [sflag:s5], $0xC000  }
0x47a: {  	[sflag:s5] =	ssyncset.done $0x0  }
0x47b: {  	[sflag:s5] =	ssyncadd.s32 $0xFFFF4000  }
0x47c: {  	_ =	swait.ge [sflag:s31], $0xC000  }
0x47d: {  	p0 =	sne.s32 s4, $0x1;
	[sflag:s31] =	ssyncset.done $0x0  }
.Ltmp0:
0x47e: {  	s29 =	rddreg [dreg:$0x13];
	[sflag:s31] =	ssyncadd.s32 $0xFFFF4000;
	(pc) =	sbr.rel @p0 .LBB2_1-.Ltmp0, $4  }
0x47f: {  	[hbm4b:s29+s3] =	stream.linear.scatter [tilespmem:s2], [sflag:$0x3], $0xC000, $0x38;
	[tilespmem:$0x18200] =	vst v63  }
0x480: {  	_ =	swait.ge [sflag:s5], $0xC000  }
0x481: {  	[sflag:s5] =	ssyncset.done $0x0  }
0x482: {  	s4 =	sadd.s32 $0xFFFFFFFF, s4;
	[sflag:s5] =	ssyncadd.s32 $0xFFFF4000  }
0x483: {  	_ =	sfence.sel $0x180000  }
0x484: {  	[bflag:$0x0] =	sbarrier.arrive $0xFFFF  }
0x485: {  	_ =	strace $0x90000047  }
0x486: {  	s0 =	stileid.u32;
	[bflag:$0x2] =	sbarrier.arrive $0xFFFF  }
0x487: {  	p0 =	sne.s32 s0, $0x0;
	s0 =	rddreg [dreg:$0x3]  }
0x488: {  	s0 =	sadd.s32 @!p0 $0x100000, s0  }
0x489: {  	[sflag:s0] =	ssyncadd.tile.s32 @!p0 $0x1;
	_ =	shalt  }
.Lfunc_end2:
_tile_overlayer_lowered:
.L_overlay_start_2:
0x48a: {  	(tag) =	ssettag $0x2  }
0x48b: {  	s0 =	rddreg [dreg:$0x0];
	s2 =	stileid.u32  }
0x48c: {  	s1 =	rddreg [dreg:$0x1];
	p0 =	sne.s32 s2, $0x0  }
0x48d: {  	s3 =	rddreg [dreg:$0x2];
	[bflag:$0x3] =	sbarrier.arrive $0xFFFF;
	s2 =	simm.s32 @!p0 $0x1C03  }
0x48e: {  	[timem:s3], [sflag:s2] =	dma.local @!p0 [hbm:s0], s1  }
0x48f: {  	s0 =	simm.s32 @!p0 $0x3  }
0x490: {  	_ =	swait.ge @!p0 [sflag:s0], s1  }
0x491: {  	s1 =	ssub.s32 @!p0 $0x0, s1;
	[sflag:s0] =	ssyncset.done @!p0 $0x0  }
0x492: {  	[sflag:s0] =	ssyncadd.s32 @!p0 s1  }
0x493: {  	[bflag:$0x3] =	sbarrier.arrive $0xFFFF  }
0x494: {  	_ =	shalt  }

</sc_bundles>
